<compile_context>
chip_gen: v7x
topology: tpu7x:2x2x1
jax: 0.10.2.dev20260603
libtpu: 0.0.44.dev20260713+nightly
codegen_flags: <defaults>
</compile_context>

<pallas_src>
import jax
import jax.numpy as jnp
from jax import lax
from jax.experimental import pallas as pl
from jax.experimental.pallas import tpu as pltpu
from jax.experimental.pallas import tpu_sc as plsc

DIM = 128
CHUNK = 128
NC = 2
NS = 16
NW = NC * NS


NBUF = 3


def _gather_body(idx_hbm, cos_hbm, sin_hbm, cos_out, sin_out,
                 idx_v, cbuf, sbuf, *sems):
    cg, cw, sg, sw = (sems[0:NBUF], sems[NBUF:2 * NBUF],
                      sems[2 * NBUF:3 * NBUF], sems[3 * NBUF:4 * NBUF])
    n = idx_v.shape[0]
    wid = lax.axis_index("s") * NC + lax.axis_index("c")
    base = wid * (n * CHUNK)
    pltpu.sync_copy(idx_hbm.at[wid], idx_v)

    gc, gs, wc, ws = {}, {}, {}, {}

    def issue_gather(c):
        slot = c % NBUF
        gc[c] = pltpu.async_copy(cos_hbm.at[idx_v.at[c]], cbuf.at[slot], cg[slot])
        gs[c] = pltpu.async_copy(sin_hbm.at[idx_v.at[c]], sbuf.at[slot], sg[slot])

    for c in range(min(NBUF, n)):
        issue_gather(c)
    for c in range(n):
        slot = c % NBUF
        row0 = base + c * CHUNK
        gc[c].wait()
        wc[c] = pltpu.async_copy(cbuf.at[slot], cos_out.at[pl.ds(row0, CHUNK)], cw[slot])
        gs[c].wait()
        ws[c] = pltpu.async_copy(sbuf.at[slot], sin_out.at[pl.ds(row0, CHUNK)], sw[slot])
        if c + NBUF < n:
            wc[c].wait()
            ws[c].wait()
            issue_gather(c + NBUF)
    for c in range(max(0, n - NBUF), n):
        wc[c].wait()
        ws[c].wait()


def kernel(x, position_ids, cos_cached, sin_cached):
    B, S = position_ids.shape
    total = B * S
    per_w = total // NW
    n_chunks = per_w // CHUNK
    idx = position_ids.reshape(NW, n_chunks, CHUNK)

    mesh = plsc.VectorSubcoreMesh(core_axis_name="c", subcore_axis_name="s")
    out_t = (
        jax.ShapeDtypeStruct((total, DIM), jnp.float32),
        jax.ShapeDtypeStruct((total, DIM), jnp.float32),
    )
    fn = pl.kernel(
        _gather_body,
        out_type=out_t,
        mesh=mesh,
        scratch_types=[
            pltpu.VMEM((n_chunks, CHUNK), jnp.int32),
            pltpu.VMEM((NBUF, CHUNK, DIM), jnp.float32),
            pltpu.VMEM((NBUF, CHUNK, DIM), jnp.float32),
        ] + [pltpu.SemaphoreType.DMA] * (4 * NBUF),
    )
    cos_flat, sin_flat = fn(idx, cos_cached, sin_cached)
    return (cos_flat.reshape(B, S, DIM), sin_flat.reshape(B, S, DIM))

# --- scband reference (transcript-rebuilt; emitter-appended) ---
"""Pipeline reference for scband-qwen3-moe-rotary-embedding-63952063037997 (READ-ONLY COPY).

The authoritative reference and input builder live on the scoring server;
editing this copy changes nothing except your own understanding.
"""

import jax, jax.numpy as jnp
import numpy as np

DIM = 128
MAX_POS = 40960
BASE = 1000000.0
BATCH = 4
SEQ = 8192


def _build_cache():
    inv_freq = 1.0 / (BASE ** (jnp.arange(0, DIM, 2, dtype=jnp.float32) / DIM))
    t = jnp.arange(MAX_POS, dtype=jnp.float32)
    freqs = jnp.outer(t, inv_freq)
    emb = jnp.concatenate([freqs, freqs], axis=-1)
    return jnp.cos(emb), jnp.sin(emb)


def setup_inputs(seed: int = 0) -> dict:
    key = jax.random.key(seed)
    k1, k2 = jax.random.split(key)
    x = jax.random.normal(k1, (BATCH, SEQ, DIM), dtype=jnp.float32)
    position_ids = jax.random.randint(k2, (BATCH, SEQ), 0, MAX_POS, dtype=jnp.int32)
    cos_cached, sin_cached = _build_cache()
    return {
        "x": x,
        "position_ids": position_ids,
        "cos_cached": cos_cached,
        "sin_cached": sin_cached,
    }


def reference(x, position_ids, cos_cached, sin_cached):
    # Gather rows of the precomputed cos/sin caches at the requested positions.
    cos = jnp.take(cos_cached, position_ids, axis=0).astype(x.dtype)
    sin = jnp.take(sin_cached, position_ids, axis=0).astype(x.dtype)
    return (cos, sin)

if __name__ == "__main__":
    import jax
    _d = setup_inputs()
    print(jax.jit(kernel)(*tuple(_d.values())))

</pallas_src>

<mosaic_0001>
#map = affine_map<(d0, d1) -> (0, 0, 0)>
#map1 = affine_map<(d0, d1) -> (0, 0)>
module attributes {stable_mosaic.version = 14 : i64} {
  func.func @_gather_body(%arg0: i32, %arg1: i32, %arg2: memref<32x8x128xi32, #tpu.memory_space<hbm>>, %arg3: memref<40960x128xf32, #tpu.memory_space<hbm>>, %arg4: memref<40960x128xf32, #tpu.memory_space<hbm>>, %arg5: memref<32768x128xf32, #tpu.memory_space<hbm>>, %arg6: memref<32768x128xf32, #tpu.memory_space<hbm>>, %arg7: memref<8x128xi32, #tpu.memory_space<vmem>>, %arg8: memref<3x128x128xf32, #tpu.memory_space<vmem>>, %arg9: memref<3x128x128xf32, #tpu.memory_space<vmem>>, %arg10: memref<!tpu.dma_semaphore, #tpu.memory_space<semaphore_mem>>, %arg11: memref<!tpu.dma_semaphore, #tpu.memory_space<semaphore_mem>>, %arg12: memref<!tpu.dma_semaphore, #tpu.memory_space<semaphore_mem>>, %arg13: memref<!tpu.dma_semaphore, #tpu.memory_space<semaphore_mem>>, %arg14: memref<!tpu.dma_semaphore, #tpu.memory_space<semaphore_mem>>, %arg15: memref<!tpu.dma_semaphore, #tpu.memory_space<semaphore_mem>>, %arg16: memref<!tpu.dma_semaphore, #tpu.memory_space<semaphore_mem>>, %arg17: memref<!tpu.dma_semaphore, #tpu.memory_space<semaphore_mem>>, %arg18: memref<!tpu.dma_semaphore, #tpu.memory_space<semaphore_mem>>, %arg19: memref<!tpu.dma_semaphore, #tpu.memory_space<semaphore_mem>>, %arg20: memref<!tpu.dma_semaphore, #tpu.memory_space<semaphore_mem>>, %arg21: memref<!tpu.dma_semaphore, #tpu.memory_space<semaphore_mem>>) attributes {dimension_semantics = [#tpu.dimension_semantics<core_parallel>, #tpu.dimension_semantics<subcore_parallel>], iteration_bounds = array<i64: 2, 16>, scalar_prefetch = 0 : i64, scratch_operands = 15 : i64, tpu.core_type = #tpu.core_type<sc_vector_subcore>, window_params = [{transform_indices = #map}, {transform_indices = #map1}, {transform_indices = #map1}, {transform_indices = #map1}, {transform_indices = #map1}]} {
    %mul3A = arith.constant 2 : i32
    %mul3A_0 = arith.muli %arg1, %mul3A : i32
    %add3A = arith.addi %mul3A_0, %arg0 : i32
    %mul3A_1 = arith.constant 1024 : i32
    %mul3A_2 = arith.muli %add3A, %mul3A_1 : i32
    "tpu.region"() ({
      %run_scoped3A = tpu.sem_alloc : memref<!tpu.dma_semaphore, #tpu.memory_space<semaphore_mem>>
      %dma_start3A_817 = arith.constant 0 : i32
      %dma_start3A_818 = arith.constant 0 : i32
      %dma_start3A_819 = tpu.memref_slice %arg2[%add3A, %dma_start3A_817, %dma_start3A_818] : memref<32x8x128xi32, #tpu.memory_space<hbm>> -> memref<1x8x128xi32, #tpu.memory_space<hbm>>
      %dma_start3A_820 = tpu.memref_squeeze %dma_start3A_819 : memref<1x8x128xi32, #tpu.memory_space<hbm>> -> memref<8x128xi32, #tpu.memory_space<hbm>>
      %dma_start3A_821 = arith.constant 0 : i32
      %dma_start3A_822 = arith.constant 0 : i32
      %dma_start3A_823 = tpu.memref_slice %arg2[%add3A, %dma_start3A_821, %dma_start3A_822] : memref<32x8x128xi32, #tpu.memory_space<hbm>> -> memref<1x8x128xi32, #tpu.memory_space<hbm>>
      %dma_start3A_824 = tpu.memref_squeeze %dma_start3A_823 : memref<1x8x128xi32, #tpu.memory_space<hbm>> -> memref<8x128xi32, #tpu.memory_space<hbm>>
      tpu.enqueue_dma source(%dma_start3A_824 : memref<8x128xi32, #tpu.memory_space<hbm>>) target(%arg7 : memref<8x128xi32, #tpu.memory_space<vmem>>) target_semaphore(%run_scoped3A : memref<!tpu.dma_semaphore, #tpu.memory_space<semaphore_mem>>)
      %dma_wait3A_825 = arith.constant 0 : i32
      %dma_wait3A_826 = arith.constant 0 : i32
      %dma_wait3A_827 = tpu.memref_slice %arg2[%add3A, %dma_wait3A_825, %dma_wait3A_826] : memref<32x8x128xi32, #tpu.memory_space<hbm>> -> memref<1x8x128xi32, #tpu.memory_space<hbm>>
      %dma_wait3A_828 = tpu.memref_squeeze %dma_wait3A_827 : memref<1x8x128xi32, #tpu.memory_space<hbm>> -> memref<8x128xi32, #tpu.memory_space<hbm>>
      %dma_wait3A_829 = arith.constant 0 : i32
      %dma_wait3A_830 = arith.constant 0 : i32
      %dma_wait3A_831 = tpu.memref_slice %arg2[%add3A, %dma_wait3A_829, %dma_wait3A_830] : memref<32x8x128xi32, #tpu.memory_space<hbm>> -> memref<1x8x128xi32, #tpu.memory_space<hbm>>
      %dma_wait3A_832 = tpu.memref_squeeze %dma_wait3A_831 : memref<1x8x128xi32, #tpu.memory_space<hbm>> -> memref<8x128xi32, #tpu.memory_space<hbm>>
      tpu.wait_dma2 semaphore(%run_scoped3A : memref<!tpu.dma_semaphore, #tpu.memory_space<semaphore_mem>>) src(%dma_wait3A_832 : memref<8x128xi32, #tpu.memory_space<hbm>>) dst(%arg7 : memref<8x128xi32, #tpu.memory_space<vmem>>)
      tpu.yield
    }) : () -> ()
    %dma_start3A = arith.constant 0 : i32
    %dma_start3A_3 = arith.constant 0 : i32
    %dma_start3A_4 = arith.constant 0 : i32
    %dma_start3A_5 = arith.constant 0 : i32
    %dma_start3A_6 = tpu.memref_slice %arg8[%dma_start3A_3, %dma_start3A_4, %dma_start3A_5] : memref<3x128x128xf32, #tpu.memory_space<vmem>> -> memref<1x128x128xf32, #tpu.memory_space<vmem>>
    %dma_start3A_7 = tpu.memref_squeeze %dma_start3A_6 : memref<1x128x128xf32, #tpu.memory_space<vmem>> -> memref<128x128xf32, #tpu.memory_space<vmem>>
    %dma_start3A_8 = arith.constant 0 : i32
    %dma_start3A_9 = tpu.memref_slice %arg7[%dma_start3A, %dma_start3A_8] : memref<8x128xi32, #tpu.memory_space<vmem>> -> memref<1x128xi32, #tpu.memory_space<vmem>>
    %dma_start3A_10 = tpu.memref_squeeze %dma_start3A_9 : memref<1x128xi32, #tpu.memory_space<vmem>> -> memref<128xi32, #tpu.memory_space<vmem>>
    %dma_start3A_11 = arith.constant 0 : i32
    %dma_start3A_12 = arith.constant 0 : i32
    %dma_start3A_13 = tpu.memref_slice %arg3[%dma_start3A_11, %dma_start3A_12] : memref<40960x128xf32, #tpu.memory_space<hbm>> -> memref<40960x128xf32, #tpu.memory_space<hbm>>
    tpu.enqueue_indirect_dma source(%dma_start3A_13 : memref<40960x128xf32, #tpu.memory_space<hbm>>) target(%dma_start3A_7 : memref<128x128xf32, #tpu.memory_space<vmem>>) offsets(%dma_start3A_10 : memref<128xi32, #tpu.memory_space<vmem>>) semaphore(%arg10 : memref<!tpu.dma_semaphore, #tpu.memory_space<semaphore_mem>>)
    %dma_start3A_14 = arith.constant 0 : i32
    %dma_start3A_15 = arith.constant 0 : i32
    %dma_start3A_16 = arith.constant 0 : i32
    %dma_start3A_17 = arith.constant 0 : i32
    %dma_start3A_18 = tpu.memref_slice %arg9[%dma_start3A_15, %dma_start3A_16, %dma_start3A_17] : memref<3x128x128xf32, #tpu.memory_space<vmem>> -> memref<1x128x128xf32, #tpu.memory_space<vmem>>
    %dma_start3A_19 = tpu.memref_squeeze %dma_start3A_18 : memref<1x128x128xf32, #tpu.memory_space<vmem>> -> memref<128x128xf32, #tpu.memory_space<vmem>>
    %dma_start3A_20 = arith.constant 0 : i32
    %dma_start3A_21 = tpu.memref_slice %arg7[%dma_start3A_14, %dma_start3A_20] : memref<8x128xi32, #tpu.memory_space<vmem>> -> memref<1x128xi32, #tpu.memory_space<vmem>>
    %dma_start3A_22 = tpu.memref_squeeze %dma_start3A_21 : memref<1x128xi32, #tpu.memory_space<vmem>> -> memref<128xi32, #tpu.memory_space<vmem>>
    %dma_start3A_23 = arith.constant 0 : i32
    %dma_start3A_24 = arith.constant 0 : i32
    %dma_start3A_25 = tpu.memref_slice %arg4[%dma_start3A_23, %dma_start3A_24] : memref<40960x128xf32, #tpu.memory_space<hbm>> -> memref<40960x128xf32, #tpu.memory_space<hbm>>
    tpu.enqueue_indirect_dma source(%dma_start3A_25 : memref<40960x128xf32, #tpu.memory_space<hbm>>) target(%dma_start3A_19 : memref<128x128xf32, #tpu.memory_space<vmem>>) offsets(%dma_start3A_22 : memref<128xi32, #tpu.memory_space<vmem>>) semaphore(%arg16 : memref<!tpu.dma_semaphore, #tpu.memory_space<semaphore_mem>>)
    %dma_start3A_26 = arith.constant 1 : i32
    %dma_start3A_27 = arith.constant 1 : i32
    %dma_start3A_28 = arith.constant 0 : i32
    %dma_start3A_29 = arith.constant 0 : i32
    %dma_start3A_30 = tpu.memref_slice %arg8[%dma_start3A_27, %dma_start3A_28, %dma_start3A_29] : memref<3x128x128xf32, #tpu.memory_space<vmem>> -> memref<1x128x128xf32, #tpu.memory_space<vmem>>
    %dma_start3A_31 = tpu.memref_squeeze %dma_start3A_30 : memref<1x128x128xf32, #tpu.memory_space<vmem>> -> memref<128x128xf32, #tpu.memory_space<vmem>>
    %dma_start3A_32 = arith.constant 0 : i32
    %dma_start3A_33 = tpu.memref_slice %arg7[%dma_start3A_26, %dma_start3A_32] : memref<8x128xi32, #tpu.memory_space<vmem>> -> memref<1x128xi32, #tpu.memory_space<vmem>>
    %dma_start3A_34 = tpu.memref_squeeze %dma_start3A_33 : memref<1x128xi32, #tpu.memory_space<vmem>> -> memref<128xi32, #tpu.memory_space<vmem>>
    %dma_start3A_35 = arith.constant 0 : i32
    %dma_start3A_36 = arith.constant 0 : i32
    %dma_start3A_37 = tpu.memref_slice %arg3[%dma_start3A_35, %dma_start3A_36] : memref<40960x128xf32, #tpu.memory_space<hbm>> -> memref<40960x128xf32, #tpu.memory_space<hbm>>
    tpu.enqueue_indirect_dma source(%dma_start3A_37 : memref<40960x128xf32, #tpu.memory_space<hbm>>) target(%dma_start3A_31 : memref<128x128xf32, #tpu.memory_space<vmem>>) offsets(%dma_start3A_34 : memref<128xi32, #tpu.memory_space<vmem>>) semaphore(%arg11 : memref<!tpu.dma_semaphore, #tpu.memory_space<semaphore_mem>>)
    %dma_start3A_38 = arith.constant 1 : i32
    %dma_start3A_39 = arith.constant 1 : i32
    %dma_start3A_40 = arith.constant 0 : i32
    %dma_start3A_41 = arith.constant 0 : i32
    %dma_start3A_42 = tpu.memref_slice %arg9[%dma_start3A_39, %dma_start3A_40, %dma_start3A_41] : memref<3x128x128xf32, #tpu.memory_space<vmem>> -> memref<1x128x128xf32, #tpu.memory_space<vmem>>
    %dma_start3A_43 = tpu.memref_squeeze %dma_start3A_42 : memref<1x128x128xf32, #tpu.memory_space<vmem>> -> memref<128x128xf32, #tpu.memory_space<vmem>>
    %dma_start3A_44 = arith.constant 0 : i32
    %dma_start3A_45 = tpu.memref_slice %arg7[%dma_start3A_38, %dma_start3A_44] : memref<8x128xi32, #tpu.memory_space<vmem>> -> memref<1x128xi32, #tpu.memory_space<vmem>>
    %dma_start3A_46 = tpu.memref_squeeze %dma_start3A_45 : memref<1x128xi32, #tpu.memory_space<vmem>> -> memref<128xi32, #tpu.memory_space<vmem>>
    %dma_start3A_47 = arith.constant 0 : i32
    %dma_start3A_48 = arith.constant 0 : i32
    %dma_start3A_49 = tpu.memref_slice %arg4[%dma_start3A_47, %dma_start3A_48] : memref<40960x128xf32, #tpu.memory_space<hbm>> -> memref<40960x128xf32, #tpu.memory_space<hbm>>
    tpu.enqueue_indirect_dma source(%dma_start3A_49 : memref<40960x128xf32, #tpu.memory_space<hbm>>) target(%dma_start3A_43 : memref<128x128xf32, #tpu.memory_space<vmem>>) offsets(%dma_start3A_46 : memref<128xi32, #tpu.memory_space<vmem>>) semaphore(%arg17 : memref<!tpu.dma_semaphore, #tpu.memory_space<semaphore_mem>>)
    %dma_start3A_50 = arith.constant 2 : i32
    %dma_start3A_51 = arith.constant 2 : i32
    %dma_start3A_52 = arith.constant 0 : i32
    %dma_start3A_53 = arith.constant 0 : i32
    %dma_start3A_54 = tpu.memref_slice %arg8[%dma_start3A_51, %dma_start3A_52, %dma_start3A_53] : memref<3x128x128xf32, #tpu.memory_space<vmem>> -> memref<1x128x128xf32, #tpu.memory_space<vmem>>
    %dma_start3A_55 = tpu.memref_squeeze %dma_start3A_54 : memref<1x128x128xf32, #tpu.memory_space<vmem>> -> memref<128x128xf32, #tpu.memory_space<vmem>>
    %dma_start3A_56 = arith.constant 0 : i32
    %dma_start3A_57 = tpu.memref_slice %arg7[%dma_start3A_50, %dma_start3A_56] : memref<8x128xi32, #tpu.memory_space<vmem>> -> memref<1x128xi32, #tpu.memory_space<vmem>>
    %dma_start3A_58 = tpu.memref_squeeze %dma_start3A_57 : memref<1x128xi32, #tpu.memory_space<vmem>> -> memref<128xi32, #tpu.memory_space<vmem>>
    %dma_start3A_59 = arith.constant 0 : i32
    %dma_start3A_60 = arith.constant 0 : i32
    %dma_start3A_61 = tpu.memref_slice %arg3[%dma_start3A_59, %dma_start3A_60] : memref<40960x128xf32, #tpu.memory_space<hbm>> -> memref<40960x128xf32, #tpu.memory_space<hbm>>
    tpu.enqueue_indirect_dma source(%dma_start3A_61 : memref<40960x128xf32, #tpu.memory_space<hbm>>) target(%dma_start3A_55 : memref<128x128xf32, #tpu.memory_space<vmem>>) offsets(%dma_start3A_58 : memref<128xi32, #tpu.memory_space<vmem>>) semaphore(%arg12 : memref<!tpu.dma_semaphore, #tpu.memory_space<semaphore_mem>>)
    %dma_start3A_62 = arith.constant 2 : i32
    %dma_start3A_63 = arith.constant 2 : i32
    %dma_start3A_64 = arith.constant 0 : i32
    %dma_start3A_65 = arith.constant 0 : i32
    %dma_start3A_66 = tpu.memref_slice %arg9[%dma_start3A_63, %dma_start3A_64, %dma_start3A_65] : memref<3x128x128xf32, #tpu.memory_space<vmem>> -> memref<1x128x128xf32, #tpu.memory_space<vmem>>
    %dma_start3A_67 = tpu.memref_squeeze %dma_start3A_66 : memref<1x128x128xf32, #tpu.memory_space<vmem>> -> memref<128x128xf32, #tpu.memory_space<vmem>>
    %dma_start3A_68 = arith.constant 0 : i32
    %dma_start3A_69 = tpu.memref_slice %arg7[%dma_start3A_62, %dma_start3A_68] : memref<8x128xi32, #tpu.memory_space<vmem>> -> memref<1x128xi32, #tpu.memory_space<vmem>>
    %dma_start3A_70 = tpu.memref_squeeze %dma_start3A_69 : memref<1x128xi32, #tpu.memory_space<vmem>> -> memref<128xi32, #tpu.memory_space<vmem>>
    %dma_start3A_71 = arith.constant 0 : i32
    %dma_start3A_72 = arith.constant 0 : i32
    %dma_start3A_73 = tpu.memref_slice %arg4[%dma_start3A_71, %dma_start3A_72] : memref<40960x128xf32, #tpu.memory_space<hbm>> -> memref<40960x128xf32, #tpu.memory_space<hbm>>
    tpu.enqueue_indirect_dma source(%dma_start3A_73 : memref<40960x128xf32, #tpu.memory_space<hbm>>) target(%dma_start3A_67 : memref<128x128xf32, #tpu.memory_space<vmem>>) offsets(%dma_start3A_70 : memref<128xi32, #tpu.memory_space<vmem>>) semaphore(%arg18 : memref<!tpu.dma_semaphore, #tpu.memory_space<semaphore_mem>>)
    %add3A_74 = arith.constant 0 : i32
    %add3A_75 = arith.addi %mul3A_2, %add3A_74 : i32
    %dma_wait3A = arith.constant 0 : i32
    %dma_wait3A_76 = arith.constant 0 : i32
    %dma_wait3A_77 = arith.constant 0 : i32
    %dma_wait3A_78 = arith.constant 0 : i32
    %dma_wait3A_79 = tpu.memref_slice %arg8[%dma_wait3A_76, %dma_wait3A_77, %dma_wait3A_78] : memref<3x128x128xf32, #tpu.memory_space<vmem>> -> memref<1x128x128xf32, #tpu.memory_space<vmem>>
    %dma_wait3A_80 = tpu.memref_squeeze %dma_wait3A_79 : memref<1x128x128xf32, #tpu.memory_space<vmem>> -> memref<128x128xf32, #tpu.memory_space<vmem>>
    %dma_wait3A_81 = arith.constant 0 : i32
    %dma_wait3A_82 = tpu.memref_slice %arg7[%dma_wait3A, %dma_wait3A_81] : memref<8x128xi32, #tpu.memory_space<vmem>> -> memref<1x128xi32, #tpu.memory_space<vmem>>
    %dma_wait3A_83 = tpu.memref_squeeze %dma_wait3A_82 : memref<1x128xi32, #tpu.memory_space<vmem>> -> memref<128xi32, #tpu.memory_space<vmem>>
    %dma_wait3A_84 = arith.constant 0 : i32
    %dma_wait3A_85 = arith.constant 0 : i32
    %dma_wait3A_86 = tpu.memref_slice %arg3[%dma_wait3A_84, %dma_wait3A_85] : memref<40960x128xf32, #tpu.memory_space<hbm>> -> memref<40960x128xf32, #tpu.memory_space<hbm>>
    tpu.wait_indirect_dma semaphore(%arg10 : memref<!tpu.dma_semaphore, #tpu.memory_space<semaphore_mem>>) src(%dma_wait3A_86 : memref<40960x128xf32, #tpu.memory_space<hbm>>) dst(%dma_wait3A_80 : memref<128x128xf32, #tpu.memory_space<vmem>>)
    %dma_start3A_87 = arith.constant 0 : i32
    %dma_start3A_88 = arith.constant 0 : i32
    %dma_start3A_89 = arith.constant 0 : i32
    %dma_start3A_90 = tpu.memref_slice %arg8[%dma_start3A_87, %dma_start3A_88, %dma_start3A_89] : memref<3x128x128xf32, #tpu.memory_space<vmem>> -> memref<1x128x128xf32, #tpu.memory_space<vmem>>
    %dma_start3A_91 = tpu.memref_squeeze %dma_start3A_90 : memref<1x128x128xf32, #tpu.memory_space<vmem>> -> memref<128x128xf32, #tpu.memory_space<vmem>>
    %dma_start3A_92 = arith.constant 0 : i32
    %dma_start3A_93 = tpu.memref_slice %arg5[%add3A_75, %dma_start3A_92] : memref<32768x128xf32, #tpu.memory_space<hbm>> -> memref<128x128xf32, #tpu.memory_space<hbm>>
    %dma_start3A_94 = arith.constant 0 : i32
    %dma_start3A_95 = tpu.memref_slice %arg5[%add3A_75, %dma_start3A_94] : memref<32768x128xf32, #tpu.memory_space<hbm>> -> memref<128x128xf32, #tpu.memory_space<hbm>>
    %dma_start3A_96 = arith.constant 0 : i32
    %dma_start3A_97 = arith.constant 0 : i32
    %dma_start3A_98 = tpu.memref_slice %arg8[%dma_start3A_87, %dma_start3A_96, %dma_start3A_97] : memref<3x128x128xf32, #tpu.memory_space<vmem>> -> memref<1x128x128xf32, #tpu.memory_space<vmem>>
    %dma_start3A_99 = tpu.memref_squeeze %dma_start3A_98 : memref<1x128x128xf32, #tpu.memory_space<vmem>> -> memref<128x128xf32, #tpu.memory_space<vmem>>
    tpu.enqueue_dma source(%dma_start3A_99 : memref<128x128xf32, #tpu.memory_space<vmem>>) target(%dma_start3A_95 : memref<128x128xf32, #tpu.memory_space<hbm>>) target_semaphore(%arg13 : memref<!tpu.dma_semaphore, #tpu.memory_space<semaphore_mem>>)
    %dma_wait3A_100 = arith.constant 0 : i32
    %dma_wait3A_101 = arith.constant 0 : i32
    %dma_wait3A_102 = arith.constant 0 : i32
    %dma_wait3A_103 = arith.constant 0 : i32
    %dma_wait3A_104 = tpu.memref_slice %arg9[%dma_wait3A_101, %dma_wait3A_102, %dma_wait3A_103] : memref<3x128x128xf32, #tpu.memory_space<vmem>> -> memref<1x128x128xf32, #tpu.memory_space<vmem>>
    %dma_wait3A_105 = tpu.memref_squeeze %dma_wait3A_104 : memref<1x128x128xf32, #tpu.memory_space<vmem>> -> memref<128x128xf32, #tpu.memory_space<vmem>>
    %dma_wait3A_106 = arith.constant 0 : i32
    %dma_wait3A_107 = tpu.memref_slice %arg7[%dma_wait3A_100, %dma_wait3A_106] : memref<8x128xi32, #tpu.memory_space<vmem>> -> memref<1x128xi32, #tpu.memory_space<vmem>>
    %dma_wait3A_108 = tpu.memref_squeeze %dma_wait3A_107 : memref<1x128xi32, #tpu.memory_space<vmem>> -> memref<128xi32, #tpu.memory_space<vmem>>
    %dma_wait3A_109 = arith.constant 0 : i32
    %dma_wait3A_110 = arith.constant 0 : i32
    %dma_wait3A_111 = tpu.memref_slice %arg4[%dma_wait3A_109, %dma_wait3A_110] : memref<40960x128xf32, #tpu.memory_space<hbm>> -> memref<40960x128xf32, #tpu.memory_space<hbm>>
    tpu.wait_indirect_dma semaphore(%arg16 : memref<!tpu.dma_semaphore, #tpu.memory_space<semaphore_mem>>) src(%dma_wait3A_111 : memref<40960x128xf32, #tpu.memory_space<hbm>>) dst(%dma_wait3A_105 : memref<128x128xf32, #tpu.memory_space<vmem>>)
    %dma_start3A_112 = arith.constant 0 : i32
    %dma_start3A_113 = arith.constant 0 : i32
    %dma_start3A_114 = arith.constant 0 : i32
    %dma_start3A_115 = tpu.memref_slice %arg9[%dma_start3A_112, %dma_start3A_113, %dma_start3A_114] : memref<3x128x128xf32, #tpu.memory_space<vmem>> -> memref<1x128x128xf32, #tpu.memory_space<vmem>>
    %dma_start3A_116 = tpu.memref_squeeze %dma_start3A_115 : memref<1x128x128xf32, #tpu.memory_space<vmem>> -> memref<128x128xf32, #tpu.memory_space<vmem>>
    %dma_start3A_117 = arith.constant 0 : i32
    %dma_start3A_118 = tpu.memref_slice %arg6[%add3A_75, %dma_start3A_117] : memref<32768x128xf32, #tpu.memory_space<hbm>> -> memref<128x128xf32, #tpu.memory_space<hbm>>
    %dma_start3A_119 = arith.constant 0 : i32
    %dma_start3A_120 = tpu.memref_slice %arg6[%add3A_75, %dma_start3A_119] : memref<32768x128xf32, #tpu.memory_space<hbm>> -> memref<128x128xf32, #tpu.memory_space<hbm>>
    %dma_start3A_121 = arith.constant 0 : i32
    %dma_start3A_122 = arith.constant 0 : i32
    %dma_start3A_123 = tpu.memref_slice %arg9[%dma_start3A_112, %dma_start3A_121, %dma_start3A_122] : memref<3x128x128xf32, #tpu.memory_space<vmem>> -> memref<1x128x128xf32, #tpu.memory_space<vmem>>
    %dma_start3A_124 = tpu.memref_squeeze %dma_start3A_123 : memref<1x128x128xf32, #tpu.memory_space<vmem>> -> memref<128x128xf32, #tpu.memory_space<vmem>>
    tpu.enqueue_dma source(%dma_start3A_124 : memref<128x128xf32, #tpu.memory_space<vmem>>) target(%dma_start3A_120 : memref<128x128xf32, #tpu.memory_space<hbm>>) target_semaphore(%arg19 : memref<!tpu.dma_semaphore, #tpu.memory_space<semaphore_mem>>)
    %dma_wait3A_125 = arith.constant 0 : i32
    %dma_wait3A_126 = arith.constant 0 : i32
    %dma_wait3A_127 = arith.constant 0 : i32
    %dma_wait3A_128 = tpu.memref_slice %arg8[%dma_wait3A_125, %dma_wait3A_126, %dma_wait3A_127] : memref<3x128x128xf32, #tpu.memory_space<vmem>> -> memref<1x128x128xf32, #tpu.memory_space<vmem>>
    %dma_wait3A_129 = tpu.memref_squeeze %dma_wait3A_128 : memref<1x128x128xf32, #tpu.memory_space<vmem>> -> memref<128x128xf32, #tpu.memory_space<vmem>>
    %dma_wait3A_130 = arith.constant 0 : i32
    %dma_wait3A_131 = tpu.memref_slice %arg5[%add3A_75, %dma_wait3A_130] : memref<32768x128xf32, #tpu.memory_space<hbm>> -> memref<128x128xf32, #tpu.memory_space<hbm>>
    %dma_wait3A_132 = arith.constant 0 : i32
    %dma_wait3A_133 = tpu.memref_slice %arg5[%add3A_75, %dma_wait3A_132] : memref<32768x128xf32, #tpu.memory_space<hbm>> -> memref<128x128xf32, #tpu.memory_space<hbm>>
    %dma_wait3A_134 = arith.constant 0 : i32
    %dma_wait3A_135 = arith.constant 0 : i32
    %dma_wait3A_136 = tpu.memref_slice %arg8[%dma_wait3A_125, %dma_wait3A_134, %dma_wait3A_135] : memref<3x128x128xf32, #tpu.memory_space<vmem>> -> memref<1x128x128xf32, #tpu.memory_space<vmem>>
    %dma_wait3A_137 = tpu.memref_squeeze %dma_wait3A_136 : memref<1x128x128xf32, #tpu.memory_space<vmem>> -> memref<128x128xf32, #tpu.memory_space<vmem>>
    tpu.wait_dma2 semaphore(%arg13 : memref<!tpu.dma_semaphore, #tpu.memory_space<semaphore_mem>>) src(%dma_wait3A_137 : memref<128x128xf32, #tpu.memory_space<vmem>>) dst(%dma_wait3A_133 : memref<128x128xf32, #tpu.memory_space<hbm>>)
    %dma_wait3A_138 = arith.constant 0 : i32
    %dma_wait3A_139 = arith.constant 0 : i32
    %dma_wait3A_140 = arith.constant 0 : i32
    %dma_wait3A_141 = tpu.memref_slice %arg9[%dma_wait3A_138, %dma_wait3A_139, %dma_wait3A_140] : memref<3x128x128xf32, #tpu.memory_space<vmem>> -> memref<1x128x128xf32, #tpu.memory_space<vmem>>
    %dma_wait3A_142 = tpu.memref_squeeze %dma_wait3A_141 : memref<1x128x128xf32, #tpu.memory_space<vmem>> -> memref<128x128xf32, #tpu.memory_space<vmem>>
    %dma_wait3A_143 = arith.constant 0 : i32
    %dma_wait3A_144 = tpu.memref_slice %arg6[%add3A_75, %dma_wait3A_143] : memref<32768x128xf32, #tpu.memory_space<hbm>> -> memref<128x128xf32, #tpu.memory_space<hbm>>
    %dma_wait3A_145 = arith.constant 0 : i32
    %dma_wait3A_146 = tpu.memref_slice %arg6[%add3A_75, %dma_wait3A_145] : memref<32768x128xf32, #tpu.memory_space<hbm>> -> memref<128x128xf32, #tpu.memory_space<hbm>>
    %dma_wait3A_147 = arith.constant 0 : i32
    %dma_wait3A_148 = arith.constant 0 : i32
    %dma_wait3A_149 = tpu.memref_slice %arg9[%dma_wait3A_138, %dma_wait3A_147, %dma_wait3A_148] : memref<3x128x128xf32, #tpu.memory_space<vmem>> -> memref<1x128x128xf32, #tpu.memory_space<vmem>>
    %dma_wait3A_150 = tpu.memref_squeeze %dma_wait3A_149 : memref<1x128x128xf32, #tpu.memory_space<vmem>> -> memref<128x128xf32, #tpu.memory_space<vmem>>
    tpu.wait_dma2 semaphore(%arg19 : memref<!tpu.dma_semaphore, #tpu.memory_space<semaphore_mem>>) src(%dma_wait3A_150 : memref<128x128xf32, #tpu.memory_space<vmem>>) dst(%dma_wait3A_146 : memref<128x128xf32, #tpu.memory_space<hbm>>)
    %dma_start3A_151 = arith.constant 3 : i32
    %dma_start3A_152 = arith.constant 0 : i32
    %dma_start3A_153 = arith.constant 0 : i32
    %dma_start3A_154 = arith.constant 0 : i32
    %dma_start3A_155 = tpu.memref_slice %arg8[%dma_start3A_152, %dma_start3A_153, %dma_start3A_154] : memref<3x128x128xf32, #tpu.memory_space<vmem>> -> memref<1x128x128xf32, #tpu.memory_space<vmem>>
    %dma_start3A_156 = tpu.memref_squeeze %dma_start3A_155 : memref<1x128x128xf32, #tpu.memory_space<vmem>> -> memref<128x128xf32, #tpu.memory_space<vmem>>
    %dma_start3A_157 = arith.constant 0 : i32
    %dma_start3A_158 = tpu.memref_slice %arg7[%dma_start3A_151, %dma_start3A_157] : memref<8x128xi32, #tpu.memory_space<vmem>> -> memref<1x128xi32, #tpu.memory_space<vmem>>
    %dma_start3A_159 = tpu.memref_squeeze %dma_start3A_158 : memref<1x128xi32, #tpu.memory_space<vmem>> -> memref<128xi32, #tpu.memory_space<vmem>>
    %dma_start3A_160 = arith.constant 0 : i32
    %dma_start3A_161 = arith.constant 0 : i32
    %dma_start3A_162 = tpu.memref_slice %arg3[%dma_start3A_160, %dma_start3A_161] : memref<40960x128xf32, #tpu.memory_space<hbm>> -> memref<40960x128xf32, #tpu.memory_space<hbm>>
    tpu.enqueue_indirect_dma source(%dma_start3A_162 : memref<40960x128xf32, #tpu.memory_space<hbm>>) target(%dma_start3A_156 : memref<128x128xf32, #tpu.memory_space<vmem>>) offsets(%dma_start3A_159 : memref<128xi32, #tpu.memory_space<vmem>>) semaphore(%arg10 : memref<!tpu.dma_semaphore, #tpu.memory_space<semaphore_mem>>)
    %dma_start3A_163 = arith.constant 3 : i32
    %dma_start3A_164 = arith.constant 0 : i32
    %dma_start3A_165 = arith.constant 0 : i32
    %dma_start3A_166 = arith.constant 0 : i32
    %dma_start3A_167 = tpu.memref_slice %arg9[%dma_start3A_164, %dma_start3A_165, %dma_start3A_166] : memref<3x128x128xf32, #tpu.memory_space<vmem>> -> memref<1x128x128xf32, #tpu.memory_space<vmem>>
    %dma_start3A_168 = tpu.memref_squeeze %dma_start3A_167 : memref<1x128x128xf32, #tpu.memory_space<vmem>> -> memref<128x128xf32, #tpu.memory_space<vmem>>
    %dma_start3A_169 = arith.constant 0 : i32
    %dma_start3A_170 = tpu.memref_slice %arg7[%dma_start3A_163, %dma_start3A_169] : memref<8x128xi32, #tpu.memory_space<vmem>> -> memref<1x128xi32, #tpu.memory_space<vmem>>
    %dma_start3A_171 = tpu.memref_squeeze %dma_start3A_170 : memref<1x128xi32, #tpu.memory_space<vmem>> -> memref<128xi32, #tpu.memory_space<vmem>>
    %dma_start3A_172 = arith.constant 0 : i32
    %dma_start3A_173 = arith.constant 0 : i32
    %dma_start3A_174 = tpu.memref_slice %arg4[%dma_start3A_172, %dma_start3A_173] : memref<40960x128xf32, #tpu.memory_space<hbm>> -> memref<40960x128xf32, #tpu.memory_space<hbm>>
    tpu.enqueue_indirect_dma source(%dma_start3A_174 : memref<40960x128xf32, #tpu.memory_space<hbm>>) target(%dma_start3A_168 : memref<128x128xf32, #tpu.memory_space<vmem>>) offsets(%dma_start3A_171 : memref<128xi32, #tpu.memory_space<vmem>>) semaphore(%arg16 : memref<!tpu.dma_semaphore, #tpu.memory_space<semaphore_mem>>)
    %add3A_175 = arith.constant 128 : i32
    %add3A_176 = arith.addi %mul3A_2, %add3A_175 : i32
    %dma_wait3A_177 = arith.constant 1 : i32
    %dma_wait3A_178 = arith.constant 1 : i32
    %dma_wait3A_179 = arith.constant 0 : i32
    %dma_wait3A_180 = arith.constant 0 : i32
    %dma_wait3A_181 = tpu.memref_slice %arg8[%dma_wait3A_178, %dma_wait3A_179, %dma_wait3A_180] : memref<3x128x128xf32, #tpu.memory_space<vmem>> -> memref<1x128x128xf32, #tpu.memory_space<vmem>>
    %dma_wait3A_182 = tpu.memref_squeeze %dma_wait3A_181 : memref<1x128x128xf32, #tpu.memory_space<vmem>> -> memref<128x128xf32, #tpu.memory_space<vmem>>
    %dma_wait3A_183 = arith.constant 0 : i32
    %dma_wait3A_184 = tpu.memref_slice %arg7[%dma_wait3A_177, %dma_wait3A_183] : memref<8x128xi32, #tpu.memory_space<vmem>> -> memref<1x128xi32, #tpu.memory_space<vmem>>
    %dma_wait3A_185 = tpu.memref_squeeze %dma_wait3A_184 : memref<1x128xi32, #tpu.memory_space<vmem>> -> memref<128xi32, #tpu.memory_space<vmem>>
    %dma_wait3A_186 = arith.constant 0 : i32
    %dma_wait3A_187 = arith.constant 0 : i32
    %dma_wait3A_188 = tpu.memref_slice %arg3[%dma_wait3A_186, %dma_wait3A_187] : memref<40960x128xf32, #tpu.memory_space<hbm>> -> memref<40960x128xf32, #tpu.memory_space<hbm>>
    tpu.wait_indirect_dma semaphore(%arg11 : memref<!tpu.dma_semaphore, #tpu.memory_space<semaphore_mem>>) src(%dma_wait3A_188 : memref<40960x128xf32, #tpu.memory_space<hbm>>) dst(%dma_wait3A_182 : memref<128x128xf32, #tpu.memory_space<vmem>>)
    %dma_start3A_189 = arith.constant 1 : i32
    %dma_start3A_190 = arith.constant 0 : i32
    %dma_start3A_191 = arith.constant 0 : i32
    %dma_start3A_192 = tpu.memref_slice %arg8[%dma_start3A_189, %dma_start3A_190, %dma_start3A_191] : memref<3x128x128xf32, #tpu.memory_space<vmem>> -> memref<1x128x128xf32, #tpu.memory_space<vmem>>
    %dma_start3A_193 = tpu.memref_squeeze %dma_start3A_192 : memref<1x128x128xf32, #tpu.memory_space<vmem>> -> memref<128x128xf32, #tpu.memory_space<vmem>>
    %dma_start3A_194 = arith.constant 0 : i32
    %dma_start3A_195 = tpu.memref_slice %arg5[%add3A_176, %dma_start3A_194] : memref<32768x128xf32, #tpu.memory_space<hbm>> -> memref<128x128xf32, #tpu.memory_space<hbm>>
    %dma_start3A_196 = arith.constant 0 : i32
    %dma_start3A_197 = tpu.memref_slice %arg5[%add3A_176, %dma_start3A_196] : memref<32768x128xf32, #tpu.memory_space<hbm>> -> memref<128x128xf32, #tpu.memory_space<hbm>>
    %dma_start3A_198 = arith.constant 0 : i32
    %dma_start3A_199 = arith.constant 0 : i32
    %dma_start3A_200 = tpu.memref_slice %arg8[%dma_start3A_189, %dma_start3A_198, %dma_start3A_199] : memref<3x128x128xf32, #tpu.memory_space<vmem>> -> memref<1x128x128xf32, #tpu.memory_space<vmem>>
    %dma_start3A_201 = tpu.memref_squeeze %dma_start3A_200 : memref<1x128x128xf32, #tpu.memory_space<vmem>> -> memref<128x128xf32, #tpu.memory_space<vmem>>
    tpu.enqueue_dma source(%dma_start3A_201 : memref<128x128xf32, #tpu.memory_space<vmem>>) target(%dma_start3A_197 : memref<128x128xf32, #tpu.memory_space<hbm>>) target_semaphore(%arg14 : memref<!tpu.dma_semaphore, #tpu.memory_space<semaphore_mem>>)
    %dma_wait3A_202 = arith.constant 1 : i32
    %dma_wait3A_203 = arith.constant 1 : i32
    %dma_wait3A_204 = arith.constant 0 : i32
    %dma_wait3A_205 = arith.constant 0 : i32
    %dma_wait3A_206 = tpu.memref_slice %arg9[%dma_wait3A_203, %dma_wait3A_204, %dma_wait3A_205] : memref<3x128x128xf32, #tpu.memory_space<vmem>> -> memref<1x128x128xf32, #tpu.memory_space<vmem>>
    %dma_wait3A_207 = tpu.memref_squeeze %dma_wait3A_206 : memref<1x128x128xf32, #tpu.memory_space<vmem>> -> memref<128x128xf32, #tpu.memory_space<vmem>>
    %dma_wait3A_208 = arith.constant 0 : i32
    %dma_wait3A_209 = tpu.memref_slice %arg7[%dma_wait3A_202, %dma_wait3A_208] : memref<8x128xi32, #tpu.memory_space<vmem>> -> memref<1x128xi32, #tpu.memory_space<vmem>>
    %dma_wait3A_210 = tpu.memref_squeeze %dma_wait3A_209 : memref<1x128xi32, #tpu.memory_space<vmem>> -> memref<128xi32, #tpu.memory_space<vmem>>
    %dma_wait3A_211 = arith.constant 0 : i32
    %dma_wait3A_212 = arith.constant 0 : i32
    %dma_wait3A_213 = tpu.memref_slice %arg4[%dma_wait3A_211, %dma_wait3A_212] : memref<40960x128xf32, #tpu.memory_space<hbm>> -> memref<40960x128xf32, #tpu.memory_space<hbm>>
    tpu.wait_indirect_dma semaphore(%arg17 : memref<!tpu.dma_semaphore, #tpu.memory_space<semaphore_mem>>) src(%dma_wait3A_213 : memref<40960x128xf32, #tpu.memory_space<hbm>>) dst(%dma_wait3A_207 : memref<128x128xf32, #tpu.memory_space<vmem>>)
    %dma_start3A_214 = arith.constant 1 : i32
    %dma_start3A_215 = arith.constant 0 : i32
    %dma_start3A_216 = arith.constant 0 : i32
    %dma_start3A_217 = tpu.memref_slice %arg9[%dma_start3A_214, %dma_start3A_215, %dma_start3A_216] : memref<3x128x128xf32, #tpu.memory_space<vmem>> -> memref<1x128x128xf32, #tpu.memory_space<vmem>>
    %dma_start3A_218 = tpu.memref_squeeze %dma_start3A_217 : memref<1x128x128xf32, #tpu.memory_space<vmem>> -> memref<128x128xf32, #tpu.memory_space<vmem>>
    %dma_start3A_219 = arith.constant 0 : i32
    %dma_start3A_220 = tpu.memref_slice %arg6[%add3A_176, %dma_start3A_219] : memref<32768x128xf32, #tpu.memory_space<hbm>> -> memref<128x128xf32, #tpu.memory_space<hbm>>
    %dma_start3A_221 = arith.constant 0 : i32
    %dma_start3A_222 = tpu.memref_slice %arg6[%add3A_176, %dma_start3A_221] : memref<32768x128xf32, #tpu.memory_space<hbm>> -> memref<128x128xf32, #tpu.memory_space<hbm>>
    %dma_start3A_223 = arith.constant 0 : i32
    %dma_start3A_224 = arith.constant 0 : i32
    %dma_start3A_225 = tpu.memref_slice %arg9[%dma_start3A_214, %dma_start3A_223, %dma_start3A_224] : memref<3x128x128xf32, #tpu.memory_space<vmem>> -> memref<1x128x128xf32, #tpu.memory_space<vmem>>
    %dma_start3A_226 = tpu.memref_squeeze %dma_start3A_225 : memref<1x128x128xf32, #tpu.memory_space<vmem>> -> memref<128x128xf32, #tpu.memory_space<vmem>>
    tpu.enqueue_dma source(%dma_start3A_226 : memref<128x128xf32, #tpu.memory_space<vmem>>) target(%dma_start3A_222 : memref<128x128xf32, #tpu.memory_space<hbm>>) target_semaphore(%arg20 : memref<!tpu.dma_semaphore, #tpu.memory_space<semaphore_mem>>)
    %dma_wait3A_227 = arith.constant 1 : i32
    %dma_wait3A_228 = arith.constant 0 : i32
    %dma_wait3A_229 = arith.constant 0 : i32
    %dma_wait3A_230 = tpu.memref_slice %arg8[%dma_wait3A_227, %dma_wait3A_228, %dma_wait3A_229] : memref<3x128x128xf32, #tpu.memory_space<vmem>> -> memref<1x128x128xf32, #tpu.memory_space<vmem>>
    %dma_wait3A_231 = tpu.memref_squeeze %dma_wait3A_230 : memref<1x128x128xf32, #tpu.memory_space<vmem>> -> memref<128x128xf32, #tpu.memory_space<vmem>>
    %dma_wait3A_232 = arith.constant 0 : i32
    %dma_wait3A_233 = tpu.memref_slice %arg5[%add3A_176, %dma_wait3A_232] : memref<32768x128xf32, #tpu.memory_space<hbm>> -> memref<128x128xf32, #tpu.memory_space<hbm>>
    %dma_wait3A_234 = arith.constant 0 : i32
    %dma_wait3A_235 = tpu.memref_slice %arg5[%add3A_176, %dma_wait3A_234] : memref<32768x128xf32, #tpu.memory_space<hbm>> -> memref<128x128xf32, #tpu.memory_space<hbm>>
    %dma_wait3A_236 = arith.constant 0 : i32
    %dma_wait3A_237 = arith.constant 0 : i32
    %dma_wait3A_238 = tpu.memref_slice %arg8[%dma_wait3A_227, %dma_wait3A_236, %dma_wait3A_237] : memref<3x128x128xf32, #tpu.memory_space<vmem>> -> memref<1x128x128xf32, #tpu.memory_space<vmem>>
    %dma_wait3A_239 = tpu.memref_squeeze %dma_wait3A_238 : memref<1x128x128xf32, #tpu.memory_space<vmem>> -> memref<128x128xf32, #tpu.memory_space<vmem>>
    tpu.wait_dma2 semaphore(%arg14 : memref<!tpu.dma_semaphore, #tpu.memory_space<semaphore_mem>>) src(%dma_wait3A_239 : memref<128x128xf32, #tpu.memory_space<vmem>>) dst(%dma_wait3A_235 : memref<128x128xf32, #tpu.memory_space<hbm>>)
    %dma_wait3A_240 = arith.constant 1 : i32
    %dma_wait3A_241 = arith.constant 0 : i32
    %dma_wait3A_242 = arith.constant 0 : i32
    %dma_wait3A_243 = tpu.memref_slice %arg9[%dma_wait3A_240, %dma_wait3A_241, %dma_wait3A_242] : memref<3x128x128xf32, #tpu.memory_space<vmem>> -> memref<1x128x128xf32, #tpu.memory_space<vmem>>
    %dma_wait3A_244 = tpu.memref_squeeze %dma_wait3A_243 : memref<1x128x128xf32, #tpu.memory_space<vmem>> -> memref<128x128xf32, #tpu.memory_space<vmem>>
    %dma_wait3A_245 = arith.constant 0 : i32
    %dma_wait3A_246 = tpu.memref_slice %arg6[%add3A_176, %dma_wait3A_245] : memref<32768x128xf32, #tpu.memory_space<hbm>> -> memref<128x128xf32, #tpu.memory_space<hbm>>
    %dma_wait3A_247 = arith.constant 0 : i32
    %dma_wait3A_248 = tpu.memref_slice %arg6[%add3A_176, %dma_wait3A_247] : memref<32768x128xf32, #tpu.memory_space<hbm>> -> memref<128x128xf32, #tpu.memory_space<hbm>>
    %dma_wait3A_249 = arith.constant 0 : i32
    %dma_wait3A_250 = arith.constant 0 : i32
    %dma_wait3A_251 = tpu.memref_slice %arg9[%dma_wait3A_240, %dma_wait3A_249, %dma_wait3A_250] : memref<3x128x128xf32, #tpu.memory_space<vmem>> -> memref<1x128x128xf32, #tpu.memory_space<vmem>>
    %dma_wait3A_252 = tpu.memref_squeeze %dma_wait3A_251 : memref<1x128x128xf32, #tpu.memory_space<vmem>> -> memref<128x128xf32, #tpu.memory_space<vmem>>
    tpu.wait_dma2 semaphore(%arg20 : memref<!tpu.dma_semaphore, #tpu.memory_space<semaphore_mem>>) src(%dma_wait3A_252 : memref<128x128xf32, #tpu.memory_space<vmem>>) dst(%dma_wait3A_248 : memref<128x128xf32, #tpu.memory_space<hbm>>)
    %dma_start3A_253 = arith.constant 4 : i32
    %dma_start3A_254 = arith.constant 1 : i32
    %dma_start3A_255 = arith.constant 0 : i32
    %dma_start3A_256 = arith.constant 0 : i32
    %dma_start3A_257 = tpu.memref_slice %arg8[%dma_start3A_254, %dma_start3A_255, %dma_start3A_256] : memref<3x128x128xf32, #tpu.memory_space<vmem>> -> memref<1x128x128xf32, #tpu.memory_space<vmem>>
    %dma_start3A_258 = tpu.memref_squeeze %dma_start3A_257 : memref<1x128x128xf32, #tpu.memory_space<vmem>> -> memref<128x128xf32, #tpu.memory_space<vmem>>
    %dma_start3A_259 = arith.constant 0 : i32
    %dma_start3A_260 = tpu.memref_slice %arg7[%dma_start3A_253, %dma_start3A_259] : memref<8x128xi32, #tpu.memory_space<vmem>> -> memref<1x128xi32, #tpu.memory_space<vmem>>
    %dma_start3A_261 = tpu.memref_squeeze %dma_start3A_260 : memref<1x128xi32, #tpu.memory_space<vmem>> -> memref<128xi32, #tpu.memory_space<vmem>>
    %dma_start3A_262 = arith.constant 0 : i32
    %dma_start3A_263 = arith.constant 0 : i32
    %dma_start3A_264 = tpu.memref_slice %arg3[%dma_start3A_262, %dma_start3A_263] : memref<40960x128xf32, #tpu.memory_space<hbm>> -> memref<40960x128xf32, #tpu.memory_space<hbm>>
    tpu.enqueue_indirect_dma source(%dma_start3A_264 : memref<40960x128xf32, #tpu.memory_space<hbm>>) target(%dma_start3A_258 : memref<128x128xf32, #tpu.memory_space<vmem>>) offsets(%dma_start3A_261 : memref<128xi32, #tpu.memory_space<vmem>>) semaphore(%arg11 : memref<!tpu.dma_semaphore, #tpu.memory_space<semaphore_mem>>)
    %dma_start3A_265 = arith.constant 4 : i32
    %dma_start3A_266 = arith.constant 1 : i32
    %dma_start3A_267 = arith.constant 0 : i32
    %dma_start3A_268 = arith.constant 0 : i32
    %dma_start3A_269 = tpu.memref_slice %arg9[%dma_start3A_266, %dma_start3A_267, %dma_start3A_268] : memref<3x128x128xf32, #tpu.memory_space<vmem>> -> memref<1x128x128xf32, #tpu.memory_space<vmem>>
    %dma_start3A_270 = tpu.memref_squeeze %dma_start3A_269 : memref<1x128x128xf32, #tpu.memory_space<vmem>> -> memref<128x128xf32, #tpu.memory_space<vmem>>
    %dma_start3A_271 = arith.constant 0 : i32
    %dma_start3A_272 = tpu.memref_slice %arg7[%dma_start3A_265, %dma_start3A_271] : memref<8x128xi32, #tpu.memory_space<vmem>> -> memref<1x128xi32, #tpu.memory_space<vmem>>
    %dma_start3A_273 = tpu.memref_squeeze %dma_start3A_272 : memref<1x128xi32, #tpu.memory_space<vmem>> -> memref<128xi32, #tpu.memory_space<vmem>>
    %dma_start3A_274 = arith.constant 0 : i32
    %dma_start3A_275 = arith.constant 0 : i32
    %dma_start3A_276 = tpu.memref_slice %arg4[%dma_start3A_274, %dma_start3A_275] : memref<40960x128xf32, #tpu.memory_space<hbm>> -> memref<40960x128xf32, #tpu.memory_space<hbm>>
    tpu.enqueue_indirect_dma source(%dma_start3A_276 : memref<40960x128xf32, #tpu.memory_space<hbm>>) target(%dma_start3A_270 : memref<128x128xf32, #tpu.memory_space<vmem>>) offsets(%dma_start3A_273 : memref<128xi32, #tpu.memory_space<vmem>>) semaphore(%arg17 : memref<!tpu.dma_semaphore, #tpu.memory_space<semaphore_mem>>)
    %add3A_277 = arith.constant 256 : i32
    %add3A_278 = arith.addi %mul3A_2, %add3A_277 : i32
    %dma_wait3A_279 = arith.constant 2 : i32
    %dma_wait3A_280 = arith.constant 2 : i32
    %dma_wait3A_281 = arith.constant 0 : i32
    %dma_wait3A_282 = arith.constant 0 : i32
    %dma_wait3A_283 = tpu.memref_slice %arg8[%dma_wait3A_280, %dma_wait3A_281, %dma_wait3A_282] : memref<3x128x128xf32, #tpu.memory_space<vmem>> -> memref<1x128x128xf32, #tpu.memory_space<vmem>>
    %dma_wait3A_284 = tpu.memref_squeeze %dma_wait3A_283 : memref<1x128x128xf32, #tpu.memory_space<vmem>> -> memref<128x128xf32, #tpu.memory_space<vmem>>
    %dma_wait3A_285 = arith.constant 0 : i32
    %dma_wait3A_286 = tpu.memref_slice %arg7[%dma_wait3A_279, %dma_wait3A_285] : memref<8x128xi32, #tpu.memory_space<vmem>> -> memref<1x128xi32, #tpu.memory_space<vmem>>
    %dma_wait3A_287 = tpu.memref_squeeze %dma_wait3A_286 : memref<1x128xi32, #tpu.memory_space<vmem>> -> memref<128xi32, #tpu.memory_space<vmem>>
    %dma_wait3A_288 = arith.constant 0 : i32
    %dma_wait3A_289 = arith.constant 0 : i32
    %dma_wait3A_290 = tpu.memref_slice %arg3[%dma_wait3A_288, %dma_wait3A_289] : memref<40960x128xf32, #tpu.memory_space<hbm>> -> memref<40960x128xf32, #tpu.memory_space<hbm>>
    tpu.wait_indirect_dma semaphore(%arg12 : memref<!tpu.dma_semaphore, #tpu.memory_space<semaphore_mem>>) src(%dma_wait3A_290 : memref<40960x128xf32, #tpu.memory_space<hbm>>) dst(%dma_wait3A_284 : memref<128x128xf32, #tpu.memory_space<vmem>>)
    %dma_start3A_291 = arith.constant 2 : i32
    %dma_start3A_292 = arith.constant 0 : i32
    %dma_start3A_293 = arith.constant 0 : i32
    %dma_start3A_294 = tpu.memref_slice %arg8[%dma_start3A_291, %dma_start3A_292, %dma_start3A_293] : memref<3x128x128xf32, #tpu.memory_space<vmem>> -> memref<1x128x128xf32, #tpu.memory_space<vmem>>
    %dma_start3A_295 = tpu.memref_squeeze %dma_start3A_294 : memref<1x128x128xf32, #tpu.memory_space<vmem>> -> memref<128x128xf32, #tpu.memory_space<vmem>>
    %dma_start3A_296 = arith.constant 0 : i32
    %dma_start3A_297 = tpu.memref_slice %arg5[%add3A_278, %dma_start3A_296] : memref<32768x128xf32, #tpu.memory_space<hbm>> -> memref<128x128xf32, #tpu.memory_space<hbm>>
    %dma_start3A_298 = arith.constant 0 : i32
    %dma_start3A_299 = tpu.memref_slice %arg5[%add3A_278, %dma_start3A_298] : memref<32768x128xf32, #tpu.memory_space<hbm>> -> memref<128x128xf32, #tpu.memory_space<hbm>>
    %dma_start3A_300 = arith.constant 0 : i32
    %dma_start3A_301 = arith.constant 0 : i32
    %dma_start3A_302 = tpu.memref_slice %arg8[%dma_start3A_291, %dma_start3A_300, %dma_start3A_301] : memref<3x128x128xf32, #tpu.memory_space<vmem>> -> memref<1x128x128xf32, #tpu.memory_space<vmem>>
    %dma_start3A_303 = tpu.memref_squeeze %dma_start3A_302 : memref<1x128x128xf32, #tpu.memory_space<vmem>> -> memref<128x128xf32, #tpu.memory_space<vmem>>
    tpu.enqueue_dma source(%dma_start3A_303 : memref<128x128xf32, #tpu.memory_space<vmem>>) target(%dma_start3A_299 : memref<128x128xf32, #tpu.memory_space<hbm>>) target_semaphore(%arg15 : memref<!tpu.dma_semaphore, #tpu.memory_space<semaphore_mem>>)
    %dma_wait3A_304 = arith.constant 2 : i32
    %dma_wait3A_305 = arith.constant 2 : i32
    %dma_wait3A_306 = arith.constant 0 : i32
    %dma_wait3A_307 = arith.constant 0 : i32
    %dma_wait3A_308 = tpu.memref_slice %arg9[%dma_wait3A_305, %dma_wait3A_306, %dma_wait3A_307] : memref<3x128x128xf32, #tpu.memory_space<vmem>> -> memref<1x128x128xf32, #tpu.memory_space<vmem>>
    %dma_wait3A_309 = tpu.memref_squeeze %dma_wait3A_308 : memref<1x128x128xf32, #tpu.memory_space<vmem>> -> memref<128x128xf32, #tpu.memory_space<vmem>>
    %dma_wait3A_310 = arith.constant 0 : i32
    %dma_wait3A_311 = tpu.memref_slice %arg7[%dma_wait3A_304, %dma_wait3A_310] : memref<8x128xi32, #tpu.memory_space<vmem>> -> memref<1x128xi32, #tpu.memory_space<vmem>>
    %dma_wait3A_312 = tpu.memref_squeeze %dma_wait3A_311 : memref<1x128xi32, #tpu.memory_space<vmem>> -> memref<128xi32, #tpu.memory_space<vmem>>
    %dma_wait3A_313 = arith.constant 0 : i32
    %dma_wait3A_314 = arith.constant 0 : i32
    %dma_wait3A_315 = tpu.memref_slice %arg4[%dma_wait3A_313, %dma_wait3A_314] : memref<40960x128xf32, #tpu.memory_space<hbm>> -> memref<40960x128xf32, #tpu.memory_space<hbm>>
    tpu.wait_indirect_dma semaphore(%arg18 : memref<!tpu.dma_semaphore, #tpu.memory_space<semaphore_mem>>) src(%dma_wait3A_315 : memref<40960x128xf32, #tpu.memory_space<hbm>>) dst(%dma_wait3A_309 : memref<128x128xf32, #tpu.memory_space<vmem>>)
    %dma_start3A_316 = arith.constant 2 : i32
    %dma_start3A_317 = arith.constant 0 : i32
    %dma_start3A_318 = arith.constant 0 : i32
    %dma_start3A_319 = tpu.memref_slice %arg9[%dma_start3A_316, %dma_start3A_317, %dma_start3A_318] : memref<3x128x128xf32, #tpu.memory_space<vmem>> -> memref<1x128x128xf32, #tpu.memory_space<vmem>>
    %dma_start3A_320 = tpu.memref_squeeze %dma_start3A_319 : memref<1x128x128xf32, #tpu.memory_space<vmem>> -> memref<128x128xf32, #tpu.memory_space<vmem>>
    %dma_start3A_321 = arith.constant 0 : i32
    %dma_start3A_322 = tpu.memref_slice %arg6[%add3A_278, %dma_start3A_321] : memref<32768x128xf32, #tpu.memory_space<hbm>> -> memref<128x128xf32, #tpu.memory_space<hbm>>
    %dma_start3A_323 = arith.constant 0 : i32
    %dma_start3A_324 = tpu.memref_slice %arg6[%add3A_278, %dma_start3A_323] : memref<32768x128xf32, #tpu.memory_space<hbm>> -> memref<128x128xf32, #tpu.memory_space<hbm>>
    %dma_start3A_325 = arith.constant 0 : i32
    %dma_start3A_326 = arith.constant 0 : i32
    %dma_start3A_327 = tpu.memref_slice %arg9[%dma_start3A_316, %dma_start3A_325, %dma_start3A_326] : memref<3x128x128xf32, #tpu.memory_space<vmem>> -> memref<1x128x128xf32, #tpu.memory_space<vmem>>
    %dma_start3A_328 = tpu.memref_squeeze %dma_start3A_327 : memref<1x128x128xf32, #tpu.memory_space<vmem>> -> memref<128x128xf32, #tpu.memory_space<vmem>>
    tpu.enqueue_dma source(%dma_start3A_328 : memref<128x128xf32, #tpu.memory_space<vmem>>) target(%dma_start3A_324 : memref<128x128xf32, #tpu.memory_space<hbm>>) target_semaphore(%arg21 : memref<!tpu.dma_semaphore, #tpu.memory_space<semaphore_mem>>)
    %dma_wait3A_329 = arith.constant 2 : i32
    %dma_wait3A_330 = arith.constant 0 : i32
    %dma_wait3A_331 = arith.constant 0 : i32
    %dma_wait3A_332 = tpu.memref_slice %arg8[%dma_wait3A_329, %dma_wait3A_330, %dma_wait3A_331] : memref<3x128x128xf32, #tpu.memory_space<vmem>> -> memref<1x128x128xf32, #tpu.memory_space<vmem>>
    %dma_wait3A_333 = tpu.memref_squeeze %dma_wait3A_332 : memref<1x128x128xf32, #tpu.memory_space<vmem>> -> memref<128x128xf32, #tpu.memory_space<vmem>>
    %dma_wait3A_334 = arith.constant 0 : i32
    %dma_wait3A_335 = tpu.memref_slice %arg5[%add3A_278, %dma_wait3A_334] : memref<32768x128xf32, #tpu.memory_space<hbm>> -> memref<128x128xf32, #tpu.memory_space<hbm>>
    %dma_wait3A_336 = arith.constant 0 : i32
    %dma_wait3A_337 = tpu.memref_slice %arg5[%add3A_278, %dma_wait3A_336] : memref<32768x128xf32, #tpu.memory_space<hbm>> -> memref<128x128xf32, #tpu.memory_space<hbm>>
    %dma_wait3A_338 = arith.constant 0 : i32
    %dma_wait3A_339 = arith.constant 0 : i32
    %dma_wait3A_340 = tpu.memref_slice %arg8[%dma_wait3A_329, %dma_wait3A_338, %dma_wait3A_339] : memref<3x128x128xf32, #tpu.memory_space<vmem>> -> memref<1x128x128xf32, #tpu.memory_space<vmem>>
    %dma_wait3A_341 = tpu.memref_squeeze %dma_wait3A_340 : memref<1x128x128xf32, #tpu.memory_space<vmem>> -> memref<128x128xf32, #tpu.memory_space<vmem>>
    tpu.wait_dma2 semaphore(%arg15 : memref<!tpu.dma_semaphore, #tpu.memory_space<semaphore_mem>>) src(%dma_wait3A_341 : memref<128x128xf32, #tpu.memory_space<vmem>>) dst(%dma_wait3A_337 : memref<128x128xf32, #tpu.memory_space<hbm>>)
    %dma_wait3A_342 = arith.constant 2 : i32
    %dma_wait3A_343 = arith.constant 0 : i32
    %dma_wait3A_344 = arith.constant 0 : i32
    %dma_wait3A_345 = tpu.memref_slice %arg9[%dma_wait3A_342, %dma_wait3A_343, %dma_wait3A_344] : memref<3x128x128xf32, #tpu.memory_space<vmem>> -> memref<1x128x128xf32, #tpu.memory_space<vmem>>
    %dma_wait3A_346 = tpu.memref_squeeze %dma_wait3A_345 : memref<1x128x128xf32, #tpu.memory_space<vmem>> -> memref<128x128xf32, #tpu.memory_space<vmem>>
    %dma_wait3A_347 = arith.constant 0 : i32
    %dma_wait3A_348 = tpu.memref_slice %arg6[%add3A_278, %dma_wait3A_347] : memref<32768x128xf32, #tpu.memory_space<hbm>> -> memref<128x128xf32, #tpu.memory_space<hbm>>
    %dma_wait3A_349 = arith.constant 0 : i32
    %dma_wait3A_350 = tpu.memref_slice %arg6[%add3A_278, %dma_wait3A_349] : memref<32768x128xf32, #tpu.memory_space<hbm>> -> memref<128x128xf32, #tpu.memory_space<hbm>>
    %dma_wait3A_351 = arith.constant 0 : i32
    %dma_wait3A_352 = arith.constant 0 : i32
    %dma_wait3A_353 = tpu.memref_slice %arg9[%dma_wait3A_342, %dma_wait3A_351, %dma_wait3A_352] : memref<3x128x128xf32, #tpu.memory_space<vmem>> -> memref<1x128x128xf32, #tpu.memory_space<vmem>>
    %dma_wait3A_354 = tpu.memref_squeeze %dma_wait3A_353 : memref<1x128x128xf32, #tpu.memory_space<vmem>> -> memref<128x128xf32, #tpu.memory_space<vmem>>
    tpu.wait_dma2 semaphore(%arg21 : memref<!tpu.dma_semaphore, #tpu.memory_space<semaphore_mem>>) src(%dma_wait3A_354 : memref<128x128xf32, #tpu.memory_space<vmem>>) dst(%dma_wait3A_350 : memref<128x128xf32, #tpu.memory_space<hbm>>)
    %dma_start3A_355 = arith.constant 5 : i32
    %dma_start3A_356 = arith.constant 2 : i32
    %dma_start3A_357 = arith.constant 0 : i32
    %dma_start3A_358 = arith.constant 0 : i32
    %dma_start3A_359 = tpu.memref_slice %arg8[%dma_start3A_356, %dma_start3A_357, %dma_start3A_358] : memref<3x128x128xf32, #tpu.memory_space<vmem>> -> memref<1x128x128xf32, #tpu.memory_space<vmem>>
    %dma_start3A_360 = tpu.memref_squeeze %dma_start3A_359 : memref<1x128x128xf32, #tpu.memory_space<vmem>> -> memref<128x128xf32, #tpu.memory_space<vmem>>
    %dma_start3A_361 = arith.constant 0 : i32
    %dma_start3A_362 = tpu.memref_slice %arg7[%dma_start3A_355, %dma_start3A_361] : memref<8x128xi32, #tpu.memory_space<vmem>> -> memref<1x128xi32, #tpu.memory_space<vmem>>
    %dma_start3A_363 = tpu.memref_squeeze %dma_start3A_362 : memref<1x128xi32, #tpu.memory_space<vmem>> -> memref<128xi32, #tpu.memory_space<vmem>>
    %dma_start3A_364 = arith.constant 0 : i32
    %dma_start3A_365 = arith.constant 0 : i32
    %dma_start3A_366 = tpu.memref_slice %arg3[%dma_start3A_364, %dma_start3A_365] : memref<40960x128xf32, #tpu.memory_space<hbm>> -> memref<40960x128xf32, #tpu.memory_space<hbm>>
    tpu.enqueue_indirect_dma source(%dma_start3A_366 : memref<40960x128xf32, #tpu.memory_space<hbm>>) target(%dma_start3A_360 : memref<128x128xf32, #tpu.memory_space<vmem>>) offsets(%dma_start3A_363 : memref<128xi32, #tpu.memory_space<vmem>>) semaphore(%arg12 : memref<!tpu.dma_semaphore, #tpu.memory_space<semaphore_mem>>)
    %dma_start3A_367 = arith.constant 5 : i32
    %dma_start3A_368 = arith.constant 2 : i32
    %dma_start3A_369 = arith.constant 0 : i32
    %dma_start3A_370 = arith.constant 0 : i32
    %dma_start3A_371 = tpu.memref_slice %arg9[%dma_start3A_368, %dma_start3A_369, %dma_start3A_370] : memref<3x128x128xf32, #tpu.memory_space<vmem>> -> memref<1x128x128xf32, #tpu.memory_space<vmem>>
    %dma_start3A_372 = tpu.memref_squeeze %dma_start3A_371 : memref<1x128x128xf32, #tpu.memory_space<vmem>> -> memref<128x128xf32, #tpu.memory_space<vmem>>
    %dma_start3A_373 = arith.constant 0 : i32
    %dma_start3A_374 = tpu.memref_slice %arg7[%dma_start3A_367, %dma_start3A_373] : memref<8x128xi32, #tpu.memory_space<vmem>> -> memref<1x128xi32, #tpu.memory_space<vmem>>
    %dma_start3A_375 = tpu.memref_squeeze %dma_start3A_374 : memref<1x128xi32, #tpu.memory_space<vmem>> -> memref<128xi32, #tpu.memory_space<vmem>>
    %dma_start3A_376 = arith.constant 0 : i32
    %dma_start3A_377 = arith.constant 0 : i32
    %dma_start3A_378 = tpu.memref_slice %arg4[%dma_start3A_376, %dma_start3A_377] : memref<40960x128xf32, #tpu.memory_space<hbm>> -> memref<40960x128xf32, #tpu.memory_space<hbm>>
    tpu.enqueue_indirect_dma source(%dma_start3A_378 : memref<40960x128xf32, #tpu.memory_space<hbm>>) target(%dma_start3A_372 : memref<128x128xf32, #tpu.memory_space<vmem>>) offsets(%dma_start3A_375 : memref<128xi32, #tpu.memory_space<vmem>>) semaphore(%arg18 : memref<!tpu.dma_semaphore, #tpu.memory_space<semaphore_mem>>)
    %add3A_379 = arith.constant 384 : i32
    %add3A_380 = arith.addi %mul3A_2, %add3A_379 : i32
    %dma_wait3A_381 = arith.constant 3 : i32
    %dma_wait3A_382 = arith.constant 0 : i32
    %dma_wait3A_383 = arith.constant 0 : i32
    %dma_wait3A_384 = arith.constant 0 : i32
    %dma_wait3A_385 = tpu.memref_slice %arg8[%dma_wait3A_382, %dma_wait3A_383, %dma_wait3A_384] : memref<3x128x128xf32, #tpu.memory_space<vmem>> -> memref<1x128x128xf32, #tpu.memory_space<vmem>>
    %dma_wait3A_386 = tpu.memref_squeeze %dma_wait3A_385 : memref<1x128x128xf32, #tpu.memory_space<vmem>> -> memref<128x128xf32, #tpu.memory_space<vmem>>
    %dma_wait3A_387 = arith.constant 0 : i32
    %dma_wait3A_388 = tpu.memref_slice %arg7[%dma_wait3A_381, %dma_wait3A_387] : memref<8x128xi32, #tpu.memory_space<vmem>> -> memref<1x128xi32, #tpu.memory_space<vmem>>
    %dma_wait3A_389 = tpu.memref_squeeze %dma_wait3A_388 : memref<1x128xi32, #tpu.memory_space<vmem>> -> memref<128xi32, #tpu.memory_space<vmem>>
    %dma_wait3A_390 = arith.constant 0 : i32
    %dma_wait3A_391 = arith.constant 0 : i32
    %dma_wait3A_392 = tpu.memref_slice %arg3[%dma_wait3A_390, %dma_wait3A_391] : memref<40960x128xf32, #tpu.memory_space<hbm>> -> memref<40960x128xf32, #tpu.memory_space<hbm>>
    tpu.wait_indirect_dma semaphore(%arg10 : memref<!tpu.dma_semaphore, #tpu.memory_space<semaphore_mem>>) src(%dma_wait3A_392 : memref<40960x128xf32, #tpu.memory_space<hbm>>) dst(%dma_wait3A_386 : memref<128x128xf32, #tpu.memory_space<vmem>>)
    %dma_start3A_393 = arith.constant 0 : i32
    %dma_start3A_394 = arith.constant 0 : i32
    %dma_start3A_395 = arith.constant 0 : i32
    %dma_start3A_396 = tpu.memref_slice %arg8[%dma_start3A_393, %dma_start3A_394, %dma_start3A_395] : memref<3x128x128xf32, #tpu.memory_space<vmem>> -> memref<1x128x128xf32, #tpu.memory_space<vmem>>
    %dma_start3A_397 = tpu.memref_squeeze %dma_start3A_396 : memref<1x128x128xf32, #tpu.memory_space<vmem>> -> memref<128x128xf32, #tpu.memory_space<vmem>>
    %dma_start3A_398 = arith.constant 0 : i32
    %dma_start3A_399 = tpu.memref_slice %arg5[%add3A_380, %dma_start3A_398] : memref<32768x128xf32, #tpu.memory_space<hbm>> -> memref<128x128xf32, #tpu.memory_space<hbm>>
    %dma_start3A_400 = arith.constant 0 : i32
    %dma_start3A_401 = tpu.memref_slice %arg5[%add3A_380, %dma_start3A_400] : memref<32768x128xf32, #tpu.memory_space<hbm>> -> memref<128x128xf32, #tpu.memory_space<hbm>>
    %dma_start3A_402 = arith.constant 0 : i32
    %dma_start3A_403 = arith.constant 0 : i32
    %dma_start3A_404 = tpu.memref_slice %arg8[%dma_start3A_393, %dma_start3A_402, %dma_start3A_403] : memref<3x128x128xf32, #tpu.memory_space<vmem>> -> memref<1x128x128xf32, #tpu.memory_space<vmem>>
    %dma_start3A_405 = tpu.memref_squeeze %dma_start3A_404 : memref<1x128x128xf32, #tpu.memory_space<vmem>> -> memref<128x128xf32, #tpu.memory_space<vmem>>
    tpu.enqueue_dma source(%dma_start3A_405 : memref<128x128xf32, #tpu.memory_space<vmem>>) target(%dma_start3A_401 : memref<128x128xf32, #tpu.memory_space<hbm>>) target_semaphore(%arg13 : memref<!tpu.dma_semaphore, #tpu.memory_space<semaphore_mem>>)
    %dma_wait3A_406 = arith.constant 3 : i32
    %dma_wait3A_407 = arith.constant 0 : i32
    %dma_wait3A_408 = arith.constant 0 : i32
    %dma_wait3A_409 = arith.constant 0 : i32
    %dma_wait3A_410 = tpu.memref_slice %arg9[%dma_wait3A_407, %dma_wait3A_408, %dma_wait3A_409] : memref<3x128x128xf32, #tpu.memory_space<vmem>> -> memref<1x128x128xf32, #tpu.memory_space<vmem>>
    %dma_wait3A_411 = tpu.memref_squeeze %dma_wait3A_410 : memref<1x128x128xf32, #tpu.memory_space<vmem>> -> memref<128x128xf32, #tpu.memory_space<vmem>>
    %dma_wait3A_412 = arith.constant 0 : i32
    %dma_wait3A_413 = tpu.memref_slice %arg7[%dma_wait3A_406, %dma_wait3A_412] : memref<8x128xi32, #tpu.memory_space<vmem>> -> memref<1x128xi32, #tpu.memory_space<vmem>>
    %dma_wait3A_414 = tpu.memref_squeeze %dma_wait3A_413 : memref<1x128xi32, #tpu.memory_space<vmem>> -> memref<128xi32, #tpu.memory_space<vmem>>
    %dma_wait3A_415 = arith.constant 0 : i32
    %dma_wait3A_416 = arith.constant 0 : i32
    %dma_wait3A_417 = tpu.memref_slice %arg4[%dma_wait3A_415, %dma_wait3A_416] : memref<40960x128xf32, #tpu.memory_space<hbm>> -> memref<40960x128xf32, #tpu.memory_space<hbm>>
    tpu.wait_indirect_dma semaphore(%arg16 : memref<!tpu.dma_semaphore, #tpu.memory_space<semaphore_mem>>) src(%dma_wait3A_417 : memref<40960x128xf32, #tpu.memory_space<hbm>>) dst(%dma_wait3A_411 : memref<128x128xf32, #tpu.memory_space<vmem>>)
    %dma_start3A_418 = arith.constant 0 : i32
    %dma_start3A_419 = arith.constant 0 : i32
    %dma_start3A_420 = arith.constant 0 : i32
    %dma_start3A_421 = tpu.memref_slice %arg9[%dma_start3A_418, %dma_start3A_419, %dma_start3A_420] : memref<3x128x128xf32, #tpu.memory_space<vmem>> -> memref<1x128x128xf32, #tpu.memory_space<vmem>>
    %dma_start3A_422 = tpu.memref_squeeze %dma_start3A_421 : memref<1x128x128xf32, #tpu.memory_space<vmem>> -> memref<128x128xf32, #tpu.memory_space<vmem>>
    %dma_start3A_423 = arith.constant 0 : i32
    %dma_start3A_424 = tpu.memref_slice %arg6[%add3A_380, %dma_start3A_423] : memref<32768x128xf32, #tpu.memory_space<hbm>> -> memref<128x128xf32, #tpu.memory_space<hbm>>
    %dma_start3A_425 = arith.constant 0 : i32
    %dma_start3A_426 = tpu.memref_slice %arg6[%add3A_380, %dma_start3A_425] : memref<32768x128xf32, #tpu.memory_space<hbm>> -> memref<128x128xf32, #tpu.memory_space<hbm>>
    %dma_start3A_427 = arith.constant 0 : i32
    %dma_start3A_428 = arith.constant 0 : i32
    %dma_start3A_429 = tpu.memref_slice %arg9[%dma_start3A_418, %dma_start3A_427, %dma_start3A_428] : memref<3x128x128xf32, #tpu.memory_space<vmem>> -> memref<1x128x128xf32, #tpu.memory_space<vmem>>
    %dma_start3A_430 = tpu.memref_squeeze %dma_start3A_429 : memref<1x128x128xf32, #tpu.memory_space<vmem>> -> memref<128x128xf32, #tpu.memory_space<vmem>>
    tpu.enqueue_dma source(%dma_start3A_430 : memref<128x128xf32, #tpu.memory_space<vmem>>) target(%dma_start3A_426 : memref<128x128xf32, #tpu.memory_space<hbm>>) target_semaphore(%arg19 : memref<!tpu.dma_semaphore, #tpu.memory_space<semaphore_mem>>)
    %dma_wait3A_431 = arith.constant 0 : i32
    %dma_wait3A_432 = arith.constant 0 : i32
    %dma_wait3A_433 = arith.constant 0 : i32
    %dma_wait3A_434 = tpu.memref_slice %arg8[%dma_wait3A_431, %dma_wait3A_432, %dma_wait3A_433] : memref<3x128x128xf32, #tpu.memory_space<vmem>> -> memref<1x128x128xf32, #tpu.memory_space<vmem>>
    %dma_wait3A_435 = tpu.memref_squeeze %dma_wait3A_434 : memref<1x128x128xf32, #tpu.memory_space<vmem>> -> memref<128x128xf32, #tpu.memory_space<vmem>>
    %dma_wait3A_436 = arith.constant 0 : i32
    %dma_wait3A_437 = tpu.memref_slice %arg5[%add3A_380, %dma_wait3A_436] : memref<32768x128xf32, #tpu.memory_space<hbm>> -> memref<128x128xf32, #tpu.memory_space<hbm>>
    %dma_wait3A_438 = arith.constant 0 : i32
    %dma_wait3A_439 = tpu.memref_slice %arg5[%add3A_380, %dma_wait3A_438] : memref<32768x128xf32, #tpu.memory_space<hbm>> -> memref<128x128xf32, #tpu.memory_space<hbm>>
    %dma_wait3A_440 = arith.constant 0 : i32
    %dma_wait3A_441 = arith.constant 0 : i32
    %dma_wait3A_442 = tpu.memref_slice %arg8[%dma_wait3A_431, %dma_wait3A_440, %dma_wait3A_441] : memref<3x128x128xf32, #tpu.memory_space<vmem>> -> memref<1x128x128xf32, #tpu.memory_space<vmem>>
    %dma_wait3A_443 = tpu.memref_squeeze %dma_wait3A_442 : memref<1x128x128xf32, #tpu.memory_space<vmem>> -> memref<128x128xf32, #tpu.memory_space<vmem>>
    tpu.wait_dma2 semaphore(%arg13 : memref<!tpu.dma_semaphore, #tpu.memory_space<semaphore_mem>>) src(%dma_wait3A_443 : memref<128x128xf32, #tpu.memory_space<vmem>>) dst(%dma_wait3A_439 : memref<128x128xf32, #tpu.memory_space<hbm>>)
    %dma_wait3A_444 = arith.constant 0 : i32
    %dma_wait3A_445 = arith.constant 0 : i32
    %dma_wait3A_446 = arith.constant 0 : i32
    %dma_wait3A_447 = tpu.memref_slice %arg9[%dma_wait3A_444, %dma_wait3A_445, %dma_wait3A_446] : memref<3x128x128xf32, #tpu.memory_space<vmem>> -> memref<1x128x128xf32, #tpu.memory_space<vmem>>
    %dma_wait3A_448 = tpu.memref_squeeze %dma_wait3A_447 : memref<1x128x128xf32, #tpu.memory_space<vmem>> -> memref<128x128xf32, #tpu.memory_space<vmem>>
    %dma_wait3A_449 = arith.constant 0 : i32
    %dma_wait3A_450 = tpu.memref_slice %arg6[%add3A_380, %dma_wait3A_449] : memref<32768x128xf32, #tpu.memory_space<hbm>> -> memref<128x128xf32, #tpu.memory_space<hbm>>
    %dma_wait3A_451 = arith.constant 0 : i32
    %dma_wait3A_452 = tpu.memref_slice %arg6[%add3A_380, %dma_wait3A_451] : memref<32768x128xf32, #tpu.memory_space<hbm>> -> memref<128x128xf32, #tpu.memory_space<hbm>>
    %dma_wait3A_453 = arith.constant 0 : i32
    %dma_wait3A_454 = arith.constant 0 : i32
    %dma_wait3A_455 = tpu.memref_slice %arg9[%dma_wait3A_444, %dma_wait3A_453, %dma_wait3A_454] : memref<3x128x128xf32, #tpu.memory_space<vmem>> -> memref<1x128x128xf32, #tpu.memory_space<vmem>>
    %dma_wait3A_456 = tpu.memref_squeeze %dma_wait3A_455 : memref<1x128x128xf32, #tpu.memory_space<vmem>> -> memref<128x128xf32, #tpu.memory_space<vmem>>
    tpu.wait_dma2 semaphore(%arg19 : memref<!tpu.dma_semaphore, #tpu.memory_space<semaphore_mem>>) src(%dma_wait3A_456 : memref<128x128xf32, #tpu.memory_space<vmem>>) dst(%dma_wait3A_452 : memref<128x128xf32, #tpu.memory_space<hbm>>)
    %dma_start3A_457 = arith.constant 6 : i32
    %dma_start3A_458 = arith.constant 0 : i32
    %dma_start3A_459 = arith.constant 0 : i32
    %dma_start3A_460 = arith.constant 0 : i32
    %dma_start3A_461 = tpu.memref_slice %arg8[%dma_start3A_458, %dma_start3A_459, %dma_start3A_460] : memref<3x128x128xf32, #tpu.memory_space<vmem>> -> memref<1x128x128xf32, #tpu.memory_space<vmem>>
    %dma_start3A_462 = tpu.memref_squeeze %dma_start3A_461 : memref<1x128x128xf32, #tpu.memory_space<vmem>> -> memref<128x128xf32, #tpu.memory_space<vmem>>
    %dma_start3A_463 = arith.constant 0 : i32
    %dma_start3A_464 = tpu.memref_slice %arg7[%dma_start3A_457, %dma_start3A_463] : memref<8x128xi32, #tpu.memory_space<vmem>> -> memref<1x128xi32, #tpu.memory_space<vmem>>
    %dma_start3A_465 = tpu.memref_squeeze %dma_start3A_464 : memref<1x128xi32, #tpu.memory_space<vmem>> -> memref<128xi32, #tpu.memory_space<vmem>>
    %dma_start3A_466 = arith.constant 0 : i32
    %dma_start3A_467 = arith.constant 0 : i32
    %dma_start3A_468 = tpu.memref_slice %arg3[%dma_start3A_466, %dma_start3A_467] : memref<40960x128xf32, #tpu.memory_space<hbm>> -> memref<40960x128xf32, #tpu.memory_space<hbm>>
    tpu.enqueue_indirect_dma source(%dma_start3A_468 : memref<40960x128xf32, #tpu.memory_space<hbm>>) target(%dma_start3A_462 : memref<128x128xf32, #tpu.memory_space<vmem>>) offsets(%dma_start3A_465 : memref<128xi32, #tpu.memory_space<vmem>>) semaphore(%arg10 : memref<!tpu.dma_semaphore, #tpu.memory_space<semaphore_mem>>)
    %dma_start3A_469 = arith.constant 6 : i32
    %dma_start3A_470 = arith.constant 0 : i32
    %dma_start3A_471 = arith.constant 0 : i32
    %dma_start3A_472 = arith.constant 0 : i32
    %dma_start3A_473 = tpu.memref_slice %arg9[%dma_start3A_470, %dma_start3A_471, %dma_start3A_472] : memref<3x128x128xf32, #tpu.memory_space<vmem>> -> memref<1x128x128xf32, #tpu.memory_space<vmem>>
    %dma_start3A_474 = tpu.memref_squeeze %dma_start3A_473 : memref<1x128x128xf32, #tpu.memory_space<vmem>> -> memref<128x128xf32, #tpu.memory_space<vmem>>
    %dma_start3A_475 = arith.constant 0 : i32
    %dma_start3A_476 = tpu.memref_slice %arg7[%dma_start3A_469, %dma_start3A_475] : memref<8x128xi32, #tpu.memory_space<vmem>> -> memref<1x128xi32, #tpu.memory_space<vmem>>
    %dma_start3A_477 = tpu.memref_squeeze %dma_start3A_476 : memref<1x128xi32, #tpu.memory_space<vmem>> -> memref<128xi32, #tpu.memory_space<vmem>>
    %dma_start3A_478 = arith.constant 0 : i32
    %dma_start3A_479 = arith.constant 0 : i32
    %dma_start3A_480 = tpu.memref_slice %arg4[%dma_start3A_478, %dma_start3A_479] : memref<40960x128xf32, #tpu.memory_space<hbm>> -> memref<40960x128xf32, #tpu.memory_space<hbm>>
    tpu.enqueue_indirect_dma source(%dma_start3A_480 : memref<40960x128xf32, #tpu.memory_space<hbm>>) target(%dma_start3A_474 : memref<128x128xf32, #tpu.memory_space<vmem>>) offsets(%dma_start3A_477 : memref<128xi32, #tpu.memory_space<vmem>>) semaphore(%arg16 : memref<!tpu.dma_semaphore, #tpu.memory_space<semaphore_mem>>)
    %add3A_481 = arith.constant 512 : i32
    %add3A_482 = arith.addi %mul3A_2, %add3A_481 : i32
    %dma_wait3A_483 = arith.constant 4 : i32
    %dma_wait3A_484 = arith.constant 1 : i32
    %dma_wait3A_485 = arith.constant 0 : i32
    %dma_wait3A_486 = arith.constant 0 : i32
    %dma_wait3A_487 = tpu.memref_slice %arg8[%dma_wait3A_484, %dma_wait3A_485, %dma_wait3A_486] : memref<3x128x128xf32, #tpu.memory_space<vmem>> -> memref<1x128x128xf32, #tpu.memory_space<vmem>>
    %dma_wait3A_488 = tpu.memref_squeeze %dma_wait3A_487 : memref<1x128x128xf32, #tpu.memory_space<vmem>> -> memref<128x128xf32, #tpu.memory_space<vmem>>
    %dma_wait3A_489 = arith.constant 0 : i32
    %dma_wait3A_490 = tpu.memref_slice %arg7[%dma_wait3A_483, %dma_wait3A_489] : memref<8x128xi32, #tpu.memory_space<vmem>> -> memref<1x128xi32, #tpu.memory_space<vmem>>
    %dma_wait3A_491 = tpu.memref_squeeze %dma_wait3A_490 : memref<1x128xi32, #tpu.memory_space<vmem>> -> memref<128xi32, #tpu.memory_space<vmem>>
    %dma_wait3A_492 = arith.constant 0 : i32
    %dma_wait3A_493 = arith.constant 0 : i32
    %dma_wait3A_494 = tpu.memref_slice %arg3[%dma_wait3A_492, %dma_wait3A_493] : memref<40960x128xf32, #tpu.memory_space<hbm>> -> memref<40960x128xf32, #tpu.memory_space<hbm>>
    tpu.wait_indirect_dma semaphore(%arg11 : memref<!tpu.dma_semaphore, #tpu.memory_space<semaphore_mem>>) src(%dma_wait3A_494 : memref<40960x128xf32, #tpu.memory_space<hbm>>) dst(%dma_wait3A_488 : memref<128x128xf32, #tpu.memory_space<vmem>>)
    %dma_start3A_495 = arith.constant 1 : i32
    %dma_start3A_496 = arith.constant 0 : i32
    %dma_start3A_497 = arith.constant 0 : i32
    %dma_start3A_498 = tpu.memref_slice %arg8[%dma_start3A_495, %dma_start3A_496, %dma_start3A_497] : memref<3x128x128xf32, #tpu.memory_space<vmem>> -> memref<1x128x128xf32, #tpu.memory_space<vmem>>
    %dma_start3A_499 = tpu.memref_squeeze %dma_start3A_498 : memref<1x128x128xf32, #tpu.memory_space<vmem>> -> memref<128x128xf32, #tpu.memory_space<vmem>>
    %dma_start3A_500 = arith.constant 0 : i32
    %dma_start3A_501 = tpu.memref_slice %arg5[%add3A_482, %dma_start3A_500] : memref<32768x128xf32, #tpu.memory_space<hbm>> -> memref<128x128xf32, #tpu.memory_space<hbm>>
    %dma_start3A_502 = arith.constant 0 : i32
    %dma_start3A_503 = tpu.memref_slice %arg5[%add3A_482, %dma_start3A_502] : memref<32768x128xf32, #tpu.memory_space<hbm>> -> memref<128x128xf32, #tpu.memory_space<hbm>>
    %dma_start3A_504 = arith.constant 0 : i32
    %dma_start3A_505 = arith.constant 0 : i32
    %dma_start3A_506 = tpu.memref_slice %arg8[%dma_start3A_495, %dma_start3A_504, %dma_start3A_505] : memref<3x128x128xf32, #tpu.memory_space<vmem>> -> memref<1x128x128xf32, #tpu.memory_space<vmem>>
    %dma_start3A_507 = tpu.memref_squeeze %dma_start3A_506 : memref<1x128x128xf32, #tpu.memory_space<vmem>> -> memref<128x128xf32, #tpu.memory_space<vmem>>
    tpu.enqueue_dma source(%dma_start3A_507 : memref<128x128xf32, #tpu.memory_space<vmem>>) target(%dma_start3A_503 : memref<128x128xf32, #tpu.memory_space<hbm>>) target_semaphore(%arg14 : memref<!tpu.dma_semaphore, #tpu.memory_space<semaphore_mem>>)
    %dma_wait3A_508 = arith.constant 4 : i32
    %dma_wait3A_509 = arith.constant 1 : i32
    %dma_wait3A_510 = arith.constant 0 : i32
    %dma_wait3A_511 = arith.constant 0 : i32
    %dma_wait3A_512 = tpu.memref_slice %arg9[%dma_wait3A_509, %dma_wait3A_510, %dma_wait3A_511] : memref<3x128x128xf32, #tpu.memory_space<vmem>> -> memref<1x128x128xf32, #tpu.memory_space<vmem>>
    %dma_wait3A_513 = tpu.memref_squeeze %dma_wait3A_512 : memref<1x128x128xf32, #tpu.memory_space<vmem>> -> memref<128x128xf32, #tpu.memory_space<vmem>>
    %dma_wait3A_514 = arith.constant 0 : i32
    %dma_wait3A_515 = tpu.memref_slice %arg7[%dma_wait3A_508, %dma_wait3A_514] : memref<8x128xi32, #tpu.memory_space<vmem>> -> memref<1x128xi32, #tpu.memory_space<vmem>>
    %dma_wait3A_516 = tpu.memref_squeeze %dma_wait3A_515 : memref<1x128xi32, #tpu.memory_space<vmem>> -> memref<128xi32, #tpu.memory_space<vmem>>
    %dma_wait3A_517 = arith.constant 0 : i32
    %dma_wait3A_518 = arith.constant 0 : i32
    %dma_wait3A_519 = tpu.memref_slice %arg4[%dma_wait3A_517, %dma_wait3A_518] : memref<40960x128xf32, #tpu.memory_space<hbm>> -> memref<40960x128xf32, #tpu.memory_space<hbm>>
    tpu.wait_indirect_dma semaphore(%arg17 : memref<!tpu.dma_semaphore, #tpu.memory_space<semaphore_mem>>) src(%dma_wait3A_519 : memref<40960x128xf32, #tpu.memory_space<hbm>>) dst(%dma_wait3A_513 : memref<128x128xf32, #tpu.memory_space<vmem>>)
    %dma_start3A_520 = arith.constant 1 : i32
    %dma_start3A_521 = arith.constant 0 : i32
    %dma_start3A_522 = arith.constant 0 : i32
    %dma_start3A_523 = tpu.memref_slice %arg9[%dma_start3A_520, %dma_start3A_521, %dma_start3A_522] : memref<3x128x128xf32, #tpu.memory_space<vmem>> -> memref<1x128x128xf32, #tpu.memory_space<vmem>>
    %dma_start3A_524 = tpu.memref_squeeze %dma_start3A_523 : memref<1x128x128xf32, #tpu.memory_space<vmem>> -> memref<128x128xf32, #tpu.memory_space<vmem>>
    %dma_start3A_525 = arith.constant 0 : i32
    %dma_start3A_526 = tpu.memref_slice %arg6[%add3A_482, %dma_start3A_525] : memref<32768x128xf32, #tpu.memory_space<hbm>> -> memref<128x128xf32, #tpu.memory_space<hbm>>
    %dma_start3A_527 = arith.constant 0 : i32
    %dma_start3A_528 = tpu.memref_slice %arg6[%add3A_482, %dma_start3A_527] : memref<32768x128xf32, #tpu.memory_space<hbm>> -> memref<128x128xf32, #tpu.memory_space<hbm>>
    %dma_start3A_529 = arith.constant 0 : i32
    %dma_start3A_530 = arith.constant 0 : i32
    %dma_start3A_531 = tpu.memref_slice %arg9[%dma_start3A_520, %dma_start3A_529, %dma_start3A_530] : memref<3x128x128xf32, #tpu.memory_space<vmem>> -> memref<1x128x128xf32, #tpu.memory_space<vmem>>
    %dma_start3A_532 = tpu.memref_squeeze %dma_start3A_531 : memref<1x128x128xf32, #tpu.memory_space<vmem>> -> memref<128x128xf32, #tpu.memory_space<vmem>>
    tpu.enqueue_dma source(%dma_start3A_532 : memref<128x128xf32, #tpu.memory_space<vmem>>) target(%dma_start3A_528 : memref<128x128xf32, #tpu.memory_space<hbm>>) target_semaphore(%arg20 : memref<!tpu.dma_semaphore, #tpu.memory_space<semaphore_mem>>)
    %dma_wait3A_533 = arith.constant 1 : i32
    %dma_wait3A_534 = arith.constant 0 : i32
    %dma_wait3A_535 = arith.constant 0 : i32
    %dma_wait3A_536 = tpu.memref_slice %arg8[%dma_wait3A_533, %dma_wait3A_534, %dma_wait3A_535] : memref<3x128x128xf32, #tpu.memory_space<vmem>> -> memref<1x128x128xf32, #tpu.memory_space<vmem>>
    %dma_wait3A_537 = tpu.memref_squeeze %dma_wait3A_536 : memref<1x128x128xf32, #tpu.memory_space<vmem>> -> memref<128x128xf32, #tpu.memory_space<vmem>>
    %dma_wait3A_538 = arith.constant 0 : i32
    %dma_wait3A_539 = tpu.memref_slice %arg5[%add3A_482, %dma_wait3A_538] : memref<32768x128xf32, #tpu.memory_space<hbm>> -> memref<128x128xf32, #tpu.memory_space<hbm>>
    %dma_wait3A_540 = arith.constant 0 : i32
    %dma_wait3A_541 = tpu.memref_slice %arg5[%add3A_482, %dma_wait3A_540] : memref<32768x128xf32, #tpu.memory_space<hbm>> -> memref<128x128xf32, #tpu.memory_space<hbm>>
    %dma_wait3A_542 = arith.constant 0 : i32
    %dma_wait3A_543 = arith.constant 0 : i32
    %dma_wait3A_544 = tpu.memref_slice %arg8[%dma_wait3A_533, %dma_wait3A_542, %dma_wait3A_543] : memref<3x128x128xf32, #tpu.memory_space<vmem>> -> memref<1x128x128xf32, #tpu.memory_space<vmem>>
    %dma_wait3A_545 = tpu.memref_squeeze %dma_wait3A_544 : memref<1x128x128xf32, #tpu.memory_space<vmem>> -> memref<128x128xf32, #tpu.memory_space<vmem>>
    tpu.wait_dma2 semaphore(%arg14 : memref<!tpu.dma_semaphore, #tpu.memory_space<semaphore_mem>>) src(%dma_wait3A_545 : memref<128x128xf32, #tpu.memory_space<vmem>>) dst(%dma_wait3A_541 : memref<128x128xf32, #tpu.memory_space<hbm>>)
    %dma_wait3A_546 = arith.constant 1 : i32
    %dma_wait3A_547 = arith.constant 0 : i32
    %dma_wait3A_548 = arith.constant 0 : i32
    %dma_wait3A_549 = tpu.memref_slice %arg9[%dma_wait3A_546, %dma_wait3A_547, %dma_wait3A_548] : memref<3x128x128xf32, #tpu.memory_space<vmem>> -> memref<1x128x128xf32, #tpu.memory_space<vmem>>
    %dma_wait3A_550 = tpu.memref_squeeze %dma_wait3A_549 : memref<1x128x128xf32, #tpu.memory_space<vmem>> -> memref<128x128xf32, #tpu.memory_space<vmem>>
    %dma_wait3A_551 = arith.constant 0 : i32
    %dma_wait3A_552 = tpu.memref_slice %arg6[%add3A_482, %dma_wait3A_551] : memref<32768x128xf32, #tpu.memory_space<hbm>> -> memref<128x128xf32, #tpu.memory_space<hbm>>
    %dma_wait3A_553 = arith.constant 0 : i32
    %dma_wait3A_554 = tpu.memref_slice %arg6[%add3A_482, %dma_wait3A_553] : memref<32768x128xf32, #tpu.memory_space<hbm>> -> memref<128x128xf32, #tpu.memory_space<hbm>>
    %dma_wait3A_555 = arith.constant 0 : i32
    %dma_wait3A_556 = arith.constant 0 : i32
    %dma_wait3A_557 = tpu.memref_slice %arg9[%dma_wait3A_546, %dma_wait3A_555, %dma_wait3A_556] : memref<3x128x128xf32, #tpu.memory_space<vmem>> -> memref<1x128x128xf32, #tpu.memory_space<vmem>>
    %dma_wait3A_558 = tpu.memref_squeeze %dma_wait3A_557 : memref<1x128x128xf32, #tpu.memory_space<vmem>> -> memref<128x128xf32, #tpu.memory_space<vmem>>
    tpu.wait_dma2 semaphore(%arg20 : memref<!tpu.dma_semaphore, #tpu.memory_space<semaphore_mem>>) src(%dma_wait3A_558 : memref<128x128xf32, #tpu.memory_space<vmem>>) dst(%dma_wait3A_554 : memref<128x128xf32, #tpu.memory_space<hbm>>)
    %dma_start3A_559 = arith.constant 7 : i32
    %dma_start3A_560 = arith.constant 1 : i32
    %dma_start3A_561 = arith.constant 0 : i32
    %dma_start3A_562 = arith.constant 0 : i32
    %dma_start3A_563 = tpu.memref_slice %arg8[%dma_start3A_560, %dma_start3A_561, %dma_start3A_562] : memref<3x128x128xf32, #tpu.memory_space<vmem>> -> memref<1x128x128xf32, #tpu.memory_space<vmem>>
    %dma_start3A_564 = tpu.memref_squeeze %dma_start3A_563 : memref<1x128x128xf32, #tpu.memory_space<vmem>> -> memref<128x128xf32, #tpu.memory_space<vmem>>
    %dma_start3A_565 = arith.constant 0 : i32
    %dma_start3A_566 = tpu.memref_slice %arg7[%dma_start3A_559, %dma_start3A_565] : memref<8x128xi32, #tpu.memory_space<vmem>> -> memref<1x128xi32, #tpu.memory_space<vmem>>
    %dma_start3A_567 = tpu.memref_squeeze %dma_start3A_566 : memref<1x128xi32, #tpu.memory_space<vmem>> -> memref<128xi32, #tpu.memory_space<vmem>>
    %dma_start3A_568 = arith.constant 0 : i32
    %dma_start3A_569 = arith.constant 0 : i32
    %dma_start3A_570 = tpu.memref_slice %arg3[%dma_start3A_568, %dma_start3A_569] : memref<40960x128xf32, #tpu.memory_space<hbm>> -> memref<40960x128xf32, #tpu.memory_space<hbm>>
    tpu.enqueue_indirect_dma source(%dma_start3A_570 : memref<40960x128xf32, #tpu.memory_space<hbm>>) target(%dma_start3A_564 : memref<128x128xf32, #tpu.memory_space<vmem>>) offsets(%dma_start3A_567 : memref<128xi32, #tpu.memory_space<vmem>>) semaphore(%arg11 : memref<!tpu.dma_semaphore, #tpu.memory_space<semaphore_mem>>)
    %dma_start3A_571 = arith.constant 7 : i32
    %dma_start3A_572 = arith.constant 1 : i32
    %dma_start3A_573 = arith.constant 0 : i32
    %dma_start3A_574 = arith.constant 0 : i32
    %dma_start3A_575 = tpu.memref_slice %arg9[%dma_start3A_572, %dma_start3A_573, %dma_start3A_574] : memref<3x128x128xf32, #tpu.memory_space<vmem>> -> memref<1x128x128xf32, #tpu.memory_space<vmem>>
    %dma_start3A_576 = tpu.memref_squeeze %dma_start3A_575 : memref<1x128x128xf32, #tpu.memory_space<vmem>> -> memref<128x128xf32, #tpu.memory_space<vmem>>
    %dma_start3A_577 = arith.constant 0 : i32
    %dma_start3A_578 = tpu.memref_slice %arg7[%dma_start3A_571, %dma_start3A_577] : memref<8x128xi32, #tpu.memory_space<vmem>> -> memref<1x128xi32, #tpu.memory_space<vmem>>
    %dma_start3A_579 = tpu.memref_squeeze %dma_start3A_578 : memref<1x128xi32, #tpu.memory_space<vmem>> -> memref<128xi32, #tpu.memory_space<vmem>>
    %dma_start3A_580 = arith.constant 0 : i32
    %dma_start3A_581 = arith.constant 0 : i32
    %dma_start3A_582 = tpu.memref_slice %arg4[%dma_start3A_580, %dma_start3A_581] : memref<40960x128xf32, #tpu.memory_space<hbm>> -> memref<40960x128xf32, #tpu.memory_space<hbm>>
    tpu.enqueue_indirect_dma source(%dma_start3A_582 : memref<40960x128xf32, #tpu.memory_space<hbm>>) target(%dma_start3A_576 : memref<128x128xf32, #tpu.memory_space<vmem>>) offsets(%dma_start3A_579 : memref<128xi32, #tpu.memory_space<vmem>>) semaphore(%arg17 : memref<!tpu.dma_semaphore, #tpu.memory_space<semaphore_mem>>)
    %add3A_583 = arith.constant 640 : i32
    %add3A_584 = arith.addi %mul3A_2, %add3A_583 : i32
    %dma_wait3A_585 = arith.constant 5 : i32
    %dma_wait3A_586 = arith.constant 2 : i32
    %dma_wait3A_587 = arith.constant 0 : i32
    %dma_wait3A_588 = arith.constant 0 : i32
    %dma_wait3A_589 = tpu.memref_slice %arg8[%dma_wait3A_586, %dma_wait3A_587, %dma_wait3A_588] : memref<3x128x128xf32, #tpu.memory_space<vmem>> -> memref<1x128x128xf32, #tpu.memory_space<vmem>>
    %dma_wait3A_590 = tpu.memref_squeeze %dma_wait3A_589 : memref<1x128x128xf32, #tpu.memory_space<vmem>> -> memref<128x128xf32, #tpu.memory_space<vmem>>
    %dma_wait3A_591 = arith.constant 0 : i32
    %dma_wait3A_592 = tpu.memref_slice %arg7[%dma_wait3A_585, %dma_wait3A_591] : memref<8x128xi32, #tpu.memory_space<vmem>> -> memref<1x128xi32, #tpu.memory_space<vmem>>
    %dma_wait3A_593 = tpu.memref_squeeze %dma_wait3A_592 : memref<1x128xi32, #tpu.memory_space<vmem>> -> memref<128xi32, #tpu.memory_space<vmem>>
    %dma_wait3A_594 = arith.constant 0 : i32
    %dma_wait3A_595 = arith.constant 0 : i32
    %dma_wait3A_596 = tpu.memref_slice %arg3[%dma_wait3A_594, %dma_wait3A_595] : memref<40960x128xf32, #tpu.memory_space<hbm>> -> memref<40960x128xf32, #tpu.memory_space<hbm>>
    tpu.wait_indirect_dma semaphore(%arg12 : memref<!tpu.dma_semaphore, #tpu.memory_space<semaphore_mem>>) src(%dma_wait3A_596 : memref<40960x128xf32, #tpu.memory_space<hbm>>) dst(%dma_wait3A_590 : memref<128x128xf32, #tpu.memory_space<vmem>>)
    %dma_start3A_597 = arith.constant 2 : i32
    %dma_start3A_598 = arith.constant 0 : i32
    %dma_start3A_599 = arith.constant 0 : i32
    %dma_start3A_600 = tpu.memref_slice %arg8[%dma_start3A_597, %dma_start3A_598, %dma_start3A_599] : memref<3x128x128xf32, #tpu.memory_space<vmem>> -> memref<1x128x128xf32, #tpu.memory_space<vmem>>
    %dma_start3A_601 = tpu.memref_squeeze %dma_start3A_600 : memref<1x128x128xf32, #tpu.memory_space<vmem>> -> memref<128x128xf32, #tpu.memory_space<vmem>>
    %dma_start3A_602 = arith.constant 0 : i32
    %dma_start3A_603 = tpu.memref_slice %arg5[%add3A_584, %dma_start3A_602] : memref<32768x128xf32, #tpu.memory_space<hbm>> -> memref<128x128xf32, #tpu.memory_space<hbm>>
    %dma_start3A_604 = arith.constant 0 : i32
    %dma_start3A_605 = tpu.memref_slice %arg5[%add3A_584, %dma_start3A_604] : memref<32768x128xf32, #tpu.memory_space<hbm>> -> memref<128x128xf32, #tpu.memory_space<hbm>>
    %dma_start3A_606 = arith.constant 0 : i32
    %dma_start3A_607 = arith.constant 0 : i32
    %dma_start3A_608 = tpu.memref_slice %arg8[%dma_start3A_597, %dma_start3A_606, %dma_start3A_607] : memref<3x128x128xf32, #tpu.memory_space<vmem>> -> memref<1x128x128xf32, #tpu.memory_space<vmem>>
    %dma_start3A_609 = tpu.memref_squeeze %dma_start3A_608 : memref<1x128x128xf32, #tpu.memory_space<vmem>> -> memref<128x128xf32, #tpu.memory_space<vmem>>
    tpu.enqueue_dma source(%dma_start3A_609 : memref<128x128xf32, #tpu.memory_space<vmem>>) target(%dma_start3A_605 : memref<128x128xf32, #tpu.memory_space<hbm>>) target_semaphore(%arg15 : memref<!tpu.dma_semaphore, #tpu.memory_space<semaphore_mem>>)
    %dma_wait3A_610 = arith.constant 5 : i32
    %dma_wait3A_611 = arith.constant 2 : i32
    %dma_wait3A_612 = arith.constant 0 : i32
    %dma_wait3A_613 = arith.constant 0 : i32
    %dma_wait3A_614 = tpu.memref_slice %arg9[%dma_wait3A_611, %dma_wait3A_612, %dma_wait3A_613] : memref<3x128x128xf32, #tpu.memory_space<vmem>> -> memref<1x128x128xf32, #tpu.memory_space<vmem>>
    %dma_wait3A_615 = tpu.memref_squeeze %dma_wait3A_614 : memref<1x128x128xf32, #tpu.memory_space<vmem>> -> memref<128x128xf32, #tpu.memory_space<vmem>>
    %dma_wait3A_616 = arith.constant 0 : i32
    %dma_wait3A_617 = tpu.memref_slice %arg7[%dma_wait3A_610, %dma_wait3A_616] : memref<8x128xi32, #tpu.memory_space<vmem>> -> memref<1x128xi32, #tpu.memory_space<vmem>>
    %dma_wait3A_618 = tpu.memref_squeeze %dma_wait3A_617 : memref<1x128xi32, #tpu.memory_space<vmem>> -> memref<128xi32, #tpu.memory_space<vmem>>
    %dma_wait3A_619 = arith.constant 0 : i32
    %dma_wait3A_620 = arith.constant 0 : i32
    %dma_wait3A_621 = tpu.memref_slice %arg4[%dma_wait3A_619, %dma_wait3A_620] : memref<40960x128xf32, #tpu.memory_space<hbm>> -> memref<40960x128xf32, #tpu.memory_space<hbm>>
    tpu.wait_indirect_dma semaphore(%arg18 : memref<!tpu.dma_semaphore, #tpu.memory_space<semaphore_mem>>) src(%dma_wait3A_621 : memref<40960x128xf32, #tpu.memory_space<hbm>>) dst(%dma_wait3A_615 : memref<128x128xf32, #tpu.memory_space<vmem>>)
    %dma_start3A_622 = arith.constant 2 : i32
    %dma_start3A_623 = arith.constant 0 : i32
    %dma_start3A_624 = arith.constant 0 : i32
    %dma_start3A_625 = tpu.memref_slice %arg9[%dma_start3A_622, %dma_start3A_623, %dma_start3A_624] : memref<3x128x128xf32, #tpu.memory_space<vmem>> -> memref<1x128x128xf32, #tpu.memory_space<vmem>>
    %dma_start3A_626 = tpu.memref_squeeze %dma_start3A_625 : memref<1x128x128xf32, #tpu.memory_space<vmem>> -> memref<128x128xf32, #tpu.memory_space<vmem>>
    %dma_start3A_627 = arith.constant 0 : i32
    %dma_start3A_628 = tpu.memref_slice %arg6[%add3A_584, %dma_start3A_627] : memref<32768x128xf32, #tpu.memory_space<hbm>> -> memref<128x128xf32, #tpu.memory_space<hbm>>
    %dma_start3A_629 = arith.constant 0 : i32
    %dma_start3A_630 = tpu.memref_slice %arg6[%add3A_584, %dma_start3A_629] : memref<32768x128xf32, #tpu.memory_space<hbm>> -> memref<128x128xf32, #tpu.memory_space<hbm>>
    %dma_start3A_631 = arith.constant 0 : i32
    %dma_start3A_632 = arith.constant 0 : i32
    %dma_start3A_633 = tpu.memref_slice %arg9[%dma_start3A_622, %dma_start3A_631, %dma_start3A_632] : memref<3x128x128xf32, #tpu.memory_space<vmem>> -> memref<1x128x128xf32, #tpu.memory_space<vmem>>
    %dma_start3A_634 = tpu.memref_squeeze %dma_start3A_633 : memref<1x128x128xf32, #tpu.memory_space<vmem>> -> memref<128x128xf32, #tpu.memory_space<vmem>>
    tpu.enqueue_dma source(%dma_start3A_634 : memref<128x128xf32, #tpu.memory_space<vmem>>) target(%dma_start3A_630 : memref<128x128xf32, #tpu.memory_space<hbm>>) target_semaphore(%arg21 : memref<!tpu.dma_semaphore, #tpu.memory_space<semaphore_mem>>)
    %add3A_635 = arith.constant 768 : i32
    %add3A_636 = arith.addi %mul3A_2, %add3A_635 : i32
    %dma_wait3A_637 = arith.constant 6 : i32
    %dma_wait3A_638 = arith.constant 0 : i32
    %dma_wait3A_639 = arith.constant 0 : i32
    %dma_wait3A_640 = arith.constant 0 : i32
    %dma_wait3A_641 = tpu.memref_slice %arg8[%dma_wait3A_638, %dma_wait3A_639, %dma_wait3A_640] : memref<3x128x128xf32, #tpu.memory_space<vmem>> -> memref<1x128x128xf32, #tpu.memory_space<vmem>>
    %dma_wait3A_642 = tpu.memref_squeeze %dma_wait3A_641 : memref<1x128x128xf32, #tpu.memory_space<vmem>> -> memref<128x128xf32, #tpu.memory_space<vmem>>
    %dma_wait3A_643 = arith.constant 0 : i32
    %dma_wait3A_644 = tpu.memref_slice %arg7[%dma_wait3A_637, %dma_wait3A_643] : memref<8x128xi32, #tpu.memory_space<vmem>> -> memref<1x128xi32, #tpu.memory_space<vmem>>
    %dma_wait3A_645 = tpu.memref_squeeze %dma_wait3A_644 : memref<1x128xi32, #tpu.memory_space<vmem>> -> memref<128xi32, #tpu.memory_space<vmem>>
    %dma_wait3A_646 = arith.constant 0 : i32
    %dma_wait3A_647 = arith.constant 0 : i32
    %dma_wait3A_648 = tpu.memref_slice %arg3[%dma_wait3A_646, %dma_wait3A_647] : memref<40960x128xf32, #tpu.memory_space<hbm>> -> memref<40960x128xf32, #tpu.memory_space<hbm>>
    tpu.wait_indirect_dma semaphore(%arg10 : memref<!tpu.dma_semaphore, #tpu.memory_space<semaphore_mem>>) src(%dma_wait3A_648 : memref<40960x128xf32, #tpu.memory_space<hbm>>) dst(%dma_wait3A_642 : memref<128x128xf32, #tpu.memory_space<vmem>>)
    %dma_start3A_649 = arith.constant 0 : i32
    %dma_start3A_650 = arith.constant 0 : i32
    %dma_start3A_651 = arith.constant 0 : i32
    %dma_start3A_652 = tpu.memref_slice %arg8[%dma_start3A_649, %dma_start3A_650, %dma_start3A_651] : memref<3x128x128xf32, #tpu.memory_space<vmem>> -> memref<1x128x128xf32, #tpu.memory_space<vmem>>
    %dma_start3A_653 = tpu.memref_squeeze %dma_start3A_652 : memref<1x128x128xf32, #tpu.memory_space<vmem>> -> memref<128x128xf32, #tpu.memory_space<vmem>>
    %dma_start3A_654 = arith.constant 0 : i32
    %dma_start3A_655 = tpu.memref_slice %arg5[%add3A_636, %dma_start3A_654] : memref<32768x128xf32, #tpu.memory_space<hbm>> -> memref<128x128xf32, #tpu.memory_space<hbm>>
    %dma_start3A_656 = arith.constant 0 : i32
    %dma_start3A_657 = tpu.memref_slice %arg5[%add3A_636, %dma_start3A_656] : memref<32768x128xf32, #tpu.memory_space<hbm>> -> memref<128x128xf32, #tpu.memory_space<hbm>>
    %dma_start3A_658 = arith.constant 0 : i32
    %dma_start3A_659 = arith.constant 0 : i32
    %dma_start3A_660 = tpu.memref_slice %arg8[%dma_start3A_649, %dma_start3A_658, %dma_start3A_659] : memref<3x128x128xf32, #tpu.memory_space<vmem>> -> memref<1x128x128xf32, #tpu.memory_space<vmem>>
    %dma_start3A_661 = tpu.memref_squeeze %dma_start3A_660 : memref<1x128x128xf32, #tpu.memory_space<vmem>> -> memref<128x128xf32, #tpu.memory_space<vmem>>
    tpu.enqueue_dma source(%dma_start3A_661 : memref<128x128xf32, #tpu.memory_space<vmem>>) target(%dma_start3A_657 : memref<128x128xf32, #tpu.memory_space<hbm>>) target_semaphore(%arg13 : memref<!tpu.dma_semaphore, #tpu.memory_space<semaphore_mem>>)
    %dma_wait3A_662 = arith.constant 6 : i32
    %dma_wait3A_663 = arith.constant 0 : i32
    %dma_wait3A_664 = arith.constant 0 : i32
    %dma_wait3A_665 = arith.constant 0 : i32
    %dma_wait3A_666 = tpu.memref_slice %arg9[%dma_wait3A_663, %dma_wait3A_664, %dma_wait3A_665] : memref<3x128x128xf32, #tpu.memory_space<vmem>> -> memref<1x128x128xf32, #tpu.memory_space<vmem>>
    %dma_wait3A_667 = tpu.memref_squeeze %dma_wait3A_666 : memref<1x128x128xf32, #tpu.memory_space<vmem>> -> memref<128x128xf32, #tpu.memory_space<vmem>>
    %dma_wait3A_668 = arith.constant 0 : i32
    %dma_wait3A_669 = tpu.memref_slice %arg7[%dma_wait3A_662, %dma_wait3A_668] : memref<8x128xi32, #tpu.memory_space<vmem>> -> memref<1x128xi32, #tpu.memory_space<vmem>>
    %dma_wait3A_670 = tpu.memref_squeeze %dma_wait3A_669 : memref<1x128xi32, #tpu.memory_space<vmem>> -> memref<128xi32, #tpu.memory_space<vmem>>
    %dma_wait3A_671 = arith.constant 0 : i32
    %dma_wait3A_672 = arith.constant 0 : i32
    %dma_wait3A_673 = tpu.memref_slice %arg4[%dma_wait3A_671, %dma_wait3A_672] : memref<40960x128xf32, #tpu.memory_space<hbm>> -> memref<40960x128xf32, #tpu.memory_space<hbm>>
    tpu.wait_indirect_dma semaphore(%arg16 : memref<!tpu.dma_semaphore, #tpu.memory_space<semaphore_mem>>) src(%dma_wait3A_673 : memref<40960x128xf32, #tpu.memory_space<hbm>>) dst(%dma_wait3A_667 : memref<128x128xf32, #tpu.memory_space<vmem>>)
    %dma_start3A_674 = arith.constant 0 : i32
    %dma_start3A_675 = arith.constant 0 : i32
    %dma_start3A_676 = arith.constant 0 : i32
    %dma_start3A_677 = tpu.memref_slice %arg9[%dma_start3A_674, %dma_start3A_675, %dma_start3A_676] : memref<3x128x128xf32, #tpu.memory_space<vmem>> -> memref<1x128x128xf32, #tpu.memory_space<vmem>>
    %dma_start3A_678 = tpu.memref_squeeze %dma_start3A_677 : memref<1x128x128xf32, #tpu.memory_space<vmem>> -> memref<128x128xf32, #tpu.memory_space<vmem>>
    %dma_start3A_679 = arith.constant 0 : i32
    %dma_start3A_680 = tpu.memref_slice %arg6[%add3A_636, %dma_start3A_679] : memref<32768x128xf32, #tpu.memory_space<hbm>> -> memref<128x128xf32, #tpu.memory_space<hbm>>
    %dma_start3A_681 = arith.constant 0 : i32
    %dma_start3A_682 = tpu.memref_slice %arg6[%add3A_636, %dma_start3A_681] : memref<32768x128xf32, #tpu.memory_space<hbm>> -> memref<128x128xf32, #tpu.memory_space<hbm>>
    %dma_start3A_683 = arith.constant 0 : i32
    %dma_start3A_684 = arith.constant 0 : i32
    %dma_start3A_685 = tpu.memref_slice %arg9[%dma_start3A_674, %dma_start3A_683, %dma_start3A_684] : memref<3x128x128xf32, #tpu.memory_space<vmem>> -> memref<1x128x128xf32, #tpu.memory_space<vmem>>
    %dma_start3A_686 = tpu.memref_squeeze %dma_start3A_685 : memref<1x128x128xf32, #tpu.memory_space<vmem>> -> memref<128x128xf32, #tpu.memory_space<vmem>>
    tpu.enqueue_dma source(%dma_start3A_686 : memref<128x128xf32, #tpu.memory_space<vmem>>) target(%dma_start3A_682 : memref<128x128xf32, #tpu.memory_space<hbm>>) target_semaphore(%arg19 : memref<!tpu.dma_semaphore, #tpu.memory_space<semaphore_mem>>)
    %add3A_687 = arith.constant 896 : i32
    %add3A_688 = arith.addi %mul3A_2, %add3A_687 : i32
    %dma_wait3A_689 = arith.constant 7 : i32
    %dma_wait3A_690 = arith.constant 1 : i32
    %dma_wait3A_691 = arith.constant 0 : i32
    %dma_wait3A_692 = arith.constant 0 : i32
    %dma_wait3A_693 = tpu.memref_slice %arg8[%dma_wait3A_690, %dma_wait3A_691, %dma_wait3A_692] : memref<3x128x128xf32, #tpu.memory_space<vmem>> -> memref<1x128x128xf32, #tpu.memory_space<vmem>>
    %dma_wait3A_694 = tpu.memref_squeeze %dma_wait3A_693 : memref<1x128x128xf32, #tpu.memory_space<vmem>> -> memref<128x128xf32, #tpu.memory_space<vmem>>
    %dma_wait3A_695 = arith.constant 0 : i32
    %dma_wait3A_696 = tpu.memref_slice %arg7[%dma_wait3A_689, %dma_wait3A_695] : memref<8x128xi32, #tpu.memory_space<vmem>> -> memref<1x128xi32, #tpu.memory_space<vmem>>
    %dma_wait3A_697 = tpu.memref_squeeze %dma_wait3A_696 : memref<1x128xi32, #tpu.memory_space<vmem>> -> memref<128xi32, #tpu.memory_space<vmem>>
    %dma_wait3A_698 = arith.constant 0 : i32
    %dma_wait3A_699 = arith.constant 0 : i32
    %dma_wait3A_700 = tpu.memref_slice %arg3[%dma_wait3A_698, %dma_wait3A_699] : memref<40960x128xf32, #tpu.memory_space<hbm>> -> memref<40960x128xf32, #tpu.memory_space<hbm>>
    tpu.wait_indirect_dma semaphore(%arg11 : memref<!tpu.dma_semaphore, #tpu.memory_space<semaphore_mem>>) src(%dma_wait3A_700 : memref<40960x128xf32, #tpu.memory_space<hbm>>) dst(%dma_wait3A_694 : memref<128x128xf32, #tpu.memory_space<vmem>>)
    %dma_start3A_701 = arith.constant 1 : i32
    %dma_start3A_702 = arith.constant 0 : i32
    %dma_start3A_703 = arith.constant 0 : i32
    %dma_start3A_704 = tpu.memref_slice %arg8[%dma_start3A_701, %dma_start3A_702, %dma_start3A_703] : memref<3x128x128xf32, #tpu.memory_space<vmem>> -> memref<1x128x128xf32, #tpu.memory_space<vmem>>
    %dma_start3A_705 = tpu.memref_squeeze %dma_start3A_704 : memref<1x128x128xf32, #tpu.memory_space<vmem>> -> memref<128x128xf32, #tpu.memory_space<vmem>>
    %dma_start3A_706 = arith.constant 0 : i32
    %dma_start3A_707 = tpu.memref_slice %arg5[%add3A_688, %dma_start3A_706] : memref<32768x128xf32, #tpu.memory_space<hbm>> -> memref<128x128xf32, #tpu.memory_space<hbm>>
    %dma_start3A_708 = arith.constant 0 : i32
    %dma_start3A_709 = tpu.memref_slice %arg5[%add3A_688, %dma_start3A_708] : memref<32768x128xf32, #tpu.memory_space<hbm>> -> memref<128x128xf32, #tpu.memory_space<hbm>>
    %dma_start3A_710 = arith.constant 0 : i32
    %dma_start3A_711 = arith.constant 0 : i32
    %dma_start3A_712 = tpu.memref_slice %arg8[%dma_start3A_701, %dma_start3A_710, %dma_start3A_711] : memref<3x128x128xf32, #tpu.memory_space<vmem>> -> memref<1x128x128xf32, #tpu.memory_space<vmem>>
    %dma_start3A_713 = tpu.memref_squeeze %dma_start3A_712 : memref<1x128x128xf32, #tpu.memory_space<vmem>> -> memref<128x128xf32, #tpu.memory_space<vmem>>
    tpu.enqueue_dma source(%dma_start3A_713 : memref<128x128xf32, #tpu.memory_space<vmem>>) target(%dma_start3A_709 : memref<128x128xf32, #tpu.memory_space<hbm>>) target_semaphore(%arg14 : memref<!tpu.dma_semaphore, #tpu.memory_space<semaphore_mem>>)
    %dma_wait3A_714 = arith.constant 7 : i32
    %dma_wait3A_715 = arith.constant 1 : i32
    %dma_wait3A_716 = arith.constant 0 : i32
    %dma_wait3A_717 = arith.constant 0 : i32
    %dma_wait3A_718 = tpu.memref_slice %arg9[%dma_wait3A_715, %dma_wait3A_716, %dma_wait3A_717] : memref<3x128x128xf32, #tpu.memory_space<vmem>> -> memref<1x128x128xf32, #tpu.memory_space<vmem>>
    %dma_wait3A_719 = tpu.memref_squeeze %dma_wait3A_718 : memref<1x128x128xf32, #tpu.memory_space<vmem>> -> memref<128x128xf32, #tpu.memory_space<vmem>>
    %dma_wait3A_720 = arith.constant 0 : i32
    %dma_wait3A_721 = tpu.memref_slice %arg7[%dma_wait3A_714, %dma_wait3A_720] : memref<8x128xi32, #tpu.memory_space<vmem>> -> memref<1x128xi32, #tpu.memory_space<vmem>>
    %dma_wait3A_722 = tpu.memref_squeeze %dma_wait3A_721 : memref<1x128xi32, #tpu.memory_space<vmem>> -> memref<128xi32, #tpu.memory_space<vmem>>
    %dma_wait3A_723 = arith.constant 0 : i32
    %dma_wait3A_724 = arith.constant 0 : i32
    %dma_wait3A_725 = tpu.memref_slice %arg4[%dma_wait3A_723, %dma_wait3A_724] : memref<40960x128xf32, #tpu.memory_space<hbm>> -> memref<40960x128xf32, #tpu.memory_space<hbm>>
    tpu.wait_indirect_dma semaphore(%arg17 : memref<!tpu.dma_semaphore, #tpu.memory_space<semaphore_mem>>) src(%dma_wait3A_725 : memref<40960x128xf32, #tpu.memory_space<hbm>>) dst(%dma_wait3A_719 : memref<128x128xf32, #tpu.memory_space<vmem>>)
    %dma_start3A_726 = arith.constant 1 : i32
    %dma_start3A_727 = arith.constant 0 : i32
    %dma_start3A_728 = arith.constant 0 : i32
    %dma_start3A_729 = tpu.memref_slice %arg9[%dma_start3A_726, %dma_start3A_727, %dma_start3A_728] : memref<3x128x128xf32, #tpu.memory_space<vmem>> -> memref<1x128x128xf32, #tpu.memory_space<vmem>>
    %dma_start3A_730 = tpu.memref_squeeze %dma_start3A_729 : memref<1x128x128xf32, #tpu.memory_space<vmem>> -> memref<128x128xf32, #tpu.memory_space<vmem>>
    %dma_start3A_731 = arith.constant 0 : i32
    %dma_start3A_732 = tpu.memref_slice %arg6[%add3A_688, %dma_start3A_731] : memref<32768x128xf32, #tpu.memory_space<hbm>> -> memref<128x128xf32, #tpu.memory_space<hbm>>
    %dma_start3A_733 = arith.constant 0 : i32
    %dma_start3A_734 = tpu.memref_slice %arg6[%add3A_688, %dma_start3A_733] : memref<32768x128xf32, #tpu.memory_space<hbm>> -> memref<128x128xf32, #tpu.memory_space<hbm>>
    %dma_start3A_735 = arith.constant 0 : i32
    %dma_start3A_736 = arith.constant 0 : i32
    %dma_start3A_737 = tpu.memref_slice %arg9[%dma_start3A_726, %dma_start3A_735, %dma_start3A_736] : memref<3x128x128xf32, #tpu.memory_space<vmem>> -> memref<1x128x128xf32, #tpu.memory_space<vmem>>
    %dma_start3A_738 = tpu.memref_squeeze %dma_start3A_737 : memref<1x128x128xf32, #tpu.memory_space<vmem>> -> memref<128x128xf32, #tpu.memory_space<vmem>>
    tpu.enqueue_dma source(%dma_start3A_738 : memref<128x128xf32, #tpu.memory_space<vmem>>) target(%dma_start3A_734 : memref<128x128xf32, #tpu.memory_space<hbm>>) target_semaphore(%arg20 : memref<!tpu.dma_semaphore, #tpu.memory_space<semaphore_mem>>)
    %dma_wait3A_739 = arith.constant 2 : i32
    %dma_wait3A_740 = arith.constant 0 : i32
    %dma_wait3A_741 = arith.constant 0 : i32
    %dma_wait3A_742 = tpu.memref_slice %arg8[%dma_wait3A_739, %dma_wait3A_740, %dma_wait3A_741] : memref<3x128x128xf32, #tpu.memory_space<vmem>> -> memref<1x128x128xf32, #tpu.memory_space<vmem>>
    %dma_wait3A_743 = tpu.memref_squeeze %dma_wait3A_742 : memref<1x128x128xf32, #tpu.memory_space<vmem>> -> memref<128x128xf32, #tpu.memory_space<vmem>>
    %dma_wait3A_744 = arith.constant 0 : i32
    %dma_wait3A_745 = tpu.memref_slice %arg5[%add3A_584, %dma_wait3A_744] : memref<32768x128xf32, #tpu.memory_space<hbm>> -> memref<128x128xf32, #tpu.memory_space<hbm>>
    %dma_wait3A_746 = arith.constant 0 : i32
    %dma_wait3A_747 = tpu.memref_slice %arg5[%add3A_584, %dma_wait3A_746] : memref<32768x128xf32, #tpu.memory_space<hbm>> -> memref<128x128xf32, #tpu.memory_space<hbm>>
    %dma_wait3A_748 = arith.constant 0 : i32
    %dma_wait3A_749 = arith.constant 0 : i32
    %dma_wait3A_750 = tpu.memref_slice %arg8[%dma_wait3A_739, %dma_wait3A_748, %dma_wait3A_749] : memref<3x128x128xf32, #tpu.memory_space<vmem>> -> memref<1x128x128xf32, #tpu.memory_space<vmem>>
    %dma_wait3A_751 = tpu.memref_squeeze %dma_wait3A_750 : memref<1x128x128xf32, #tpu.memory_space<vmem>> -> memref<128x128xf32, #tpu.memory_space<vmem>>
    tpu.wait_dma2 semaphore(%arg15 : memref<!tpu.dma_semaphore, #tpu.memory_space<semaphore_mem>>) src(%dma_wait3A_751 : memref<128x128xf32, #tpu.memory_space<vmem>>) dst(%dma_wait3A_747 : memref<128x128xf32, #tpu.memory_space<hbm>>)
    %dma_wait3A_752 = arith.constant 2 : i32
    %dma_wait3A_753 = arith.constant 0 : i32
    %dma_wait3A_754 = arith.constant 0 : i32
    %dma_wait3A_755 = tpu.memref_slice %arg9[%dma_wait3A_752, %dma_wait3A_753, %dma_wait3A_754] : memref<3x128x128xf32, #tpu.memory_space<vmem>> -> memref<1x128x128xf32, #tpu.memory_space<vmem>>
    %dma_wait3A_756 = tpu.memref_squeeze %dma_wait3A_755 : memref<1x128x128xf32, #tpu.memory_space<vmem>> -> memref<128x128xf32, #tpu.memory_space<vmem>>
    %dma_wait3A_757 = arith.constant 0 : i32
    %dma_wait3A_758 = tpu.memref_slice %arg6[%add3A_584, %dma_wait3A_757] : memref<32768x128xf32, #tpu.memory_space<hbm>> -> memref<128x128xf32, #tpu.memory_space<hbm>>
    %dma_wait3A_759 = arith.constant 0 : i32
    %dma_wait3A_760 = tpu.memref_slice %arg6[%add3A_584, %dma_wait3A_759] : memref<32768x128xf32, #tpu.memory_space<hbm>> -> memref<128x128xf32, #tpu.memory_space<hbm>>
    %dma_wait3A_761 = arith.constant 0 : i32
    %dma_wait3A_762 = arith.constant 0 : i32
    %dma_wait3A_763 = tpu.memref_slice %arg9[%dma_wait3A_752, %dma_wait3A_761, %dma_wait3A_762] : memref<3x128x128xf32, #tpu.memory_space<vmem>> -> memref<1x128x128xf32, #tpu.memory_space<vmem>>
    %dma_wait3A_764 = tpu.memref_squeeze %dma_wait3A_763 : memref<1x128x128xf32, #tpu.memory_space<vmem>> -> memref<128x128xf32, #tpu.memory_space<vmem>>
    tpu.wait_dma2 semaphore(%arg21 : memref<!tpu.dma_semaphore, #tpu.memory_space<semaphore_mem>>) src(%dma_wait3A_764 : memref<128x128xf32, #tpu.memory_space<vmem>>) dst(%dma_wait3A_760 : memref<128x128xf32, #tpu.memory_space<hbm>>)
    %dma_wait3A_765 = arith.constant 0 : i32
    %dma_wait3A_766 = arith.constant 0 : i32
    %dma_wait3A_767 = arith.constant 0 : i32
    %dma_wait3A_768 = tpu.memref_slice %arg8[%dma_wait3A_765, %dma_wait3A_766, %dma_wait3A_767] : memref<3x128x128xf32, #tpu.memory_space<vmem>> -> memref<1x128x128xf32, #tpu.memory_space<vmem>>
    %dma_wait3A_769 = tpu.memref_squeeze %dma_wait3A_768 : memref<1x128x128xf32, #tpu.memory_space<vmem>> -> memref<128x128xf32, #tpu.memory_space<vmem>>
    %dma_wait3A_770 = arith.constant 0 : i32
    %dma_wait3A_771 = tpu.memref_slice %arg5[%add3A_636, %dma_wait3A_770] : memref<32768x128xf32, #tpu.memory_space<hbm>> -> memref<128x128xf32, #tpu.memory_space<hbm>>
    %dma_wait3A_772 = arith.constant 0 : i32
    %dma_wait3A_773 = tpu.memref_slice %arg5[%add3A_636, %dma_wait3A_772] : memref<32768x128xf32, #tpu.memory_space<hbm>> -> memref<128x128xf32, #tpu.memory_space<hbm>>
    %dma_wait3A_774 = arith.constant 0 : i32
    %dma_wait3A_775 = arith.constant 0 : i32
    %dma_wait3A_776 = tpu.memref_slice %arg8[%dma_wait3A_765, %dma_wait3A_774, %dma_wait3A_775] : memref<3x128x128xf32, #tpu.memory_space<vmem>> -> memref<1x128x128xf32, #tpu.memory_space<vmem>>
    %dma_wait3A_777 = tpu.memref_squeeze %dma_wait3A_776 : memref<1x128x128xf32, #tpu.memory_space<vmem>> -> memref<128x128xf32, #tpu.memory_space<vmem>>
    tpu.wait_dma2 semaphore(%arg13 : memref<!tpu.dma_semaphore, #tpu.memory_space<semaphore_mem>>) src(%dma_wait3A_777 : memref<128x128xf32, #tpu.memory_space<vmem>>) dst(%dma_wait3A_773 : memref<128x128xf32, #tpu.memory_space<hbm>>)
    %dma_wait3A_778 = arith.constant 0 : i32
    %dma_wait3A_779 = arith.constant 0 : i32
    %dma_wait3A_780 = arith.constant 0 : i32
    %dma_wait3A_781 = tpu.memref_slice %arg9[%dma_wait3A_778, %dma_wait3A_779, %dma_wait3A_780] : memref<3x128x128xf32, #tpu.memory_space<vmem>> -> memref<1x128x128xf32, #tpu.memory_space<vmem>>
    %dma_wait3A_782 = tpu.memref_squeeze %dma_wait3A_781 : memref<1x128x128xf32, #tpu.memory_space<vmem>> -> memref<128x128xf32, #tpu.memory_space<vmem>>
    %dma_wait3A_783 = arith.constant 0 : i32
    %dma_wait3A_784 = tpu.memref_slice %arg6[%add3A_636, %dma_wait3A_783] : memref<32768x128xf32, #tpu.memory_space<hbm>> -> memref<128x128xf32, #tpu.memory_space<hbm>>
    %dma_wait3A_785 = arith.constant 0 : i32
    %dma_wait3A_786 = tpu.memref_slice %arg6[%add3A_636, %dma_wait3A_785] : memref<32768x128xf32, #tpu.memory_space<hbm>> -> memref<128x128xf32, #tpu.memory_space<hbm>>
    %dma_wait3A_787 = arith.constant 0 : i32
    %dma_wait3A_788 = arith.constant 0 : i32
    %dma_wait3A_789 = tpu.memref_slice %arg9[%dma_wait3A_778, %dma_wait3A_787, %dma_wait3A_788] : memref<3x128x128xf32, #tpu.memory_space<vmem>> -> memref<1x128x128xf32, #tpu.memory_space<vmem>>
    %dma_wait3A_790 = tpu.memref_squeeze %dma_wait3A_789 : memref<1x128x128xf32, #tpu.memory_space<vmem>> -> memref<128x128xf32, #tpu.memory_space<vmem>>
    tpu.wait_dma2 semaphore(%arg19 : memref<!tpu.dma_semaphore, #tpu.memory_space<semaphore_mem>>) src(%dma_wait3A_790 : memref<128x128xf32, #tpu.memory_space<vmem>>) dst(%dma_wait3A_786 : memref<128x128xf32, #tpu.memory_space<hbm>>)
    %dma_wait3A_791 = arith.constant 1 : i32
    %dma_wait3A_792 = arith.constant 0 : i32
    %dma_wait3A_793 = arith.constant 0 : i32
    %dma_wait3A_794 = tpu.memref_slice %arg8[%dma_wait3A_791, %dma_wait3A_792, %dma_wait3A_793] : memref<3x128x128xf32, #tpu.memory_space<vmem>> -> memref<1x128x128xf32, #tpu.memory_space<vmem>>
    %dma_wait3A_795 = tpu.memref_squeeze %dma_wait3A_794 : memref<1x128x128xf32, #tpu.memory_space<vmem>> -> memref<128x128xf32, #tpu.memory_space<vmem>>
    %dma_wait3A_796 = arith.constant 0 : i32
    %dma_wait3A_797 = tpu.memref_slice %arg5[%add3A_688, %dma_wait3A_796] : memref<32768x128xf32, #tpu.memory_space<hbm>> -> memref<128x128xf32, #tpu.memory_space<hbm>>
    %dma_wait3A_798 = arith.constant 0 : i32
    %dma_wait3A_799 = tpu.memref_slice %arg5[%add3A_688, %dma_wait3A_798] : memref<32768x128xf32, #tpu.memory_space<hbm>> -> memref<128x128xf32, #tpu.memory_space<hbm>>
    %dma_wait3A_800 = arith.constant 0 : i32
    %dma_wait3A_801 = arith.constant 0 : i32
    %dma_wait3A_802 = tpu.memref_slice %arg8[%dma_wait3A_791, %dma_wait3A_800, %dma_wait3A_801] : memref<3x128x128xf32, #tpu.memory_space<vmem>> -> memref<1x128x128xf32, #tpu.memory_space<vmem>>
    %dma_wait3A_803 = tpu.memref_squeeze %dma_wait3A_802 : memref<1x128x128xf32, #tpu.memory_space<vmem>> -> memref<128x128xf32, #tpu.memory_space<vmem>>
    tpu.wait_dma2 semaphore(%arg14 : memref<!tpu.dma_semaphore, #tpu.memory_space<semaphore_mem>>) src(%dma_wait3A_803 : memref<128x128xf32, #tpu.memory_space<vmem>>) dst(%dma_wait3A_799 : memref<128x128xf32, #tpu.memory_space<hbm>>)
    %dma_wait3A_804 = arith.constant 1 : i32
    %dma_wait3A_805 = arith.constant 0 : i32
    %dma_wait3A_806 = arith.constant 0 : i32
    %dma_wait3A_807 = tpu.memref_slice %arg9[%dma_wait3A_804, %dma_wait3A_805, %dma_wait3A_806] : memref<3x128x128xf32, #tpu.memory_space<vmem>> -> memref<1x128x128xf32, #tpu.memory_space<vmem>>
    %dma_wait3A_808 = tpu.memref_squeeze %dma_wait3A_807 : memref<1x128x128xf32, #tpu.memory_space<vmem>> -> memref<128x128xf32, #tpu.memory_space<vmem>>
    %dma_wait3A_809 = arith.constant 0 : i32
    %dma_wait3A_810 = tpu.memref_slice %arg6[%add3A_688, %dma_wait3A_809] : memref<32768x128xf32, #tpu.memory_space<hbm>> -> memref<128x128xf32, #tpu.memory_space<hbm>>
    %dma_wait3A_811 = arith.constant 0 : i32
    %dma_wait3A_812 = tpu.memref_slice %arg6[%add3A_688, %dma_wait3A_811] : memref<32768x128xf32, #tpu.memory_space<hbm>> -> memref<128x128xf32, #tpu.memory_space<hbm>>
    %dma_wait3A_813 = arith.constant 0 : i32
    %dma_wait3A_814 = arith.constant 0 : i32
    %dma_wait3A_815 = tpu.memref_slice %arg9[%dma_wait3A_804, %dma_wait3A_813, %dma_wait3A_814] : memref<3x128x128xf32, #tpu.memory_space<vmem>> -> memref<1x128x128xf32, #tpu.memory_space<vmem>>
    %dma_wait3A_816 = tpu.memref_squeeze %dma_wait3A_815 : memref<1x128x128xf32, #tpu.memory_space<vmem>> -> memref<128x128xf32, #tpu.memory_space<vmem>>
    tpu.wait_dma2 semaphore(%arg20 : memref<!tpu.dma_semaphore, #tpu.memory_space<semaphore_mem>>) src(%dma_wait3A_816 : memref<128x128xf32, #tpu.memory_space<vmem>>) dst(%dma_wait3A_812 : memref<128x128xf32, #tpu.memory_space<hbm>>)
    return
  }
}

</mosaic_0001>

<sc_bundles>
// kernel: kernel.3.cloned.1.call-start
scs
__scs_entry_jumppad:
0x0: {  	(pc) =	sbr.rel $0x88, $3  }
0x1: {  	(tag) =	ssettag $0x0;
	lr =	simm.s32 $0x1  }
0x2: {  	[smem:$0x3F9E] =	sst lr;
	_ =	strace $0xD0000000  }
0x3: {  	_ = 	snop  }
0x4: {  	_ = 	snop  }
0x5: {  	_ = 	snop  }
0x6: {  	_ = 	snop  }
0x7: {  	_ = 	snop  }
__scs_overlays_trampoline_lowered:
0x8: {  	[smem:$0x3FAD] =	sst s0  }
0x9: {  	[smem:$0x3FAE] =	sst s1  }
0xa: {  	[smem:$0x3FAF] =	sst s2  }
0xb: {  	[smem:$0x3FB0] =	sst s3  }
0xc: {  	[smem:$0x3FB1] =	sst s4  }
0xd: {  	[smem:$0x3FB2] =	sst s5  }
0xe: {  	[smem:$0x3FB3] =	sst s6  }
0xf: {  	[smem:$0x3FB4] =	sst s7  }
0x10: {  	[smem:$0x3FB5] =	sst s8  }
0x11: {  	[smem:$0x3FB6] =	sst s9;
	s0 =	simm.s32 @!p0 $0x0  }
0x12: {  	s1 =	sld [smem:$0x3F9C];
	s0 =	simm.s32 @p0 $0x1  }
0x13: {  	[smem:$0x3FB7] =	sst s0;
	s0 =	simm.s32 @!p1 $0x0  }
0x14: {  	s2 =	sld [smem:$0x3F9B];
	s0 =	simm.s32 @p1 $0x1  }
0x15: {  	[smem:$0x3FB8] =	sst s0;
	s0 =	simm.s32 @!p2 $0x0  }
0x16: {  	s3 =	sld [smem:$0x3FDB];
	s0 =	simm.s32 @p2 $0x1  }
0x17: {  	s4 =	simm.s32 $0x1BF5;
	[smem:$0x3FBA] =	sst s0  }
0x18: {  	s0 =	sld [smem:$0x3F9D];
	_ =	swait.ge [sflag:s4], $0x0  }
0x19: {  	s7 =	sld [smem:$0x3F9E]  }
0x1a: {  	s8 =	sadd.s32 $0xFFFFE003, lr  }
0x1b: {  	s9 =	sadd.s32 $0xFFFFFEF7, lr;
	s5 =	simm.s32 $0xFFFFFFFF;
	p2 =	slt.u32 s8, $0xFFFFF086  }
0x1c: {  	p1 =	slt.u32 s9, $0xF7A;
	s5 =	simm.s32 @!p2 $0x0  }
0x1d: {  	s5 =	simm.s32 @p1 $0x1;
	p0 =	seq.s32 s7, s2  }
0x1e: {  	s7 =	smul.u32 @!p0 $0xF7A, s2;
	p2 =	seq.s32 @!p0 s5, $0x0  }
0x1f: {  	s9 =	smul.u32 $0xF7A, s1;
	s8 =	simm.s32 @!p0 $0x1BF5;
	p2 =	por !p2, p0  }
0x20: {  	[sflag:s8] =	ssyncset.s32 @!p0 $0xFFFFF086;
	s6 =	sadd.s32 @!p0 s3, s7;
	s7 =	simm.s32 @!p0 $0x108  }
0x21: {  	s3 =	sadd.s32 s3, s9;
	s6 =	sadd.s32 @!p0 $0x88, s6;
	s7 =	simm.s32 @p2 $0x1082  }
0x22: {  	[simem:s7], [sflag:s8] =	dma.local @!p0 [hbm:s6], $0xF7A  }
0x23: {  	s9 =	sor.u32 $0xD0000000, s2;
	s6 =	simm.s32 $0x108;
	_ =	swait.ge @!p0 [sflag:s8], $0x0  }
0x24: {  	s3 =	sadd.s32 $0x88, s3;
	s6 =	simm.s32 @!p1 $0x1082;
	[sflag:s4] =	ssyncset.s32 $0xFFFFF086  }
0x25: {  	[simem:s6], [sflag:s4] =	dma.local [hbm:s3], $0xF7A  }
0x26: {  	[smem:$0x3F9E] =	sst s1;
	(tag) =	ssettag s2;
	_ =	strace s9  }
0x27: {  	s1 =	sld [smem:$0x3FAE]  }
0x28: {  	s2 =	sld [smem:$0x3FAF]  }
0x29: {  	s4 =	sld [smem:$0x3FB1]  }
0x2a: {  	p0 =	seq.s32 s5, $0x0;
	s5 =	sld [smem:$0x3FB2]  }
0x2b: {  	s6 =	sld [smem:$0x3FB3]  }
0x2c: {  	s7 =	sld [smem:$0x3FB4]  }
0x2d: {  	s3 =	simm.s32 $0x108;
	s8 =	sld [smem:$0x3FB5]  }
0x2e: {  	s3 =	simm.s32 @!p0 $0x1082;
	s9 =	sld [smem:$0x3FB6]  }
0x2f: {  	lr =	sadd.s32 s0, s3;
	s0 =	sld [smem:$0x3FAD]  }
0x30: {  	s3 =	sld [smem:$0x3FB0]  }
0x31: {  	[smem:$0x3FB9] =	sst s10  }
0x32: {  	s10 =	sld [smem:$0x3FB7];
	_ =	sdelay $0x3  }
0x33: {  	p0 =	seq.s32 s10, $0x1;
	s10 =	sld [smem:$0x3FB9];
	_ =	sdelay $0x3  }
0x34: {  	[smem:$0x3FB9] =	sst s10  }
0x35: {  	s10 =	sld [smem:$0x3FB8];
	_ =	sdelay $0x3  }
0x36: {  	p1 =	seq.s32 s10, $0x1;
	s10 =	sld [smem:$0x3FB9];
	_ =	sdelay $0x3  }
0x37: {  	[smem:$0x3FB9] =	sst s10  }
0x38: {  	s10 =	sld [smem:$0x3FBA]  }
0x39: {  	_ = 	snop;
	(pc) =	sbr.ind lr, $3  }
0x3a: {  	_ = 	snop  }
0x3b: {  	_ = 	snop  }
0x3c: {  	p2 =	seq.s32 s10, $0x1;
	s10 =	sld [smem:$0x3FB9]  }
0x3d: {  	_ =	shalt  }
0x3e: {  	_ =	shalt  }
0x3f: {  	_ =	shalt  }
0x40: {  	_ =	shalt  }
0x41: {  	_ =	shalt  }
0x42: {  	_ =	shalt  }
0x43: {  	_ =	shalt  }
0x44: {  	_ =	shalt  }
0x45: {  	_ =	shalt  }
0x46: {  	_ =	shalt  }
0x47: {  	_ =	shalt  }
0x48: {  	_ =	shalt  }
0x49: {  	_ =	shalt  }
0x4a: {  	_ =	shalt  }
0x4b: {  	_ =	shalt  }
0x4c: {  	_ =	shalt  }
0x4d: {  	_ =	shalt  }
0x4e: {  	_ =	shalt  }
0x4f: {  	_ =	shalt  }
0x50: {  	_ =	shalt  }
0x51: {  	_ =	shalt  }
0x52: {  	_ =	shalt  }
0x53: {  	_ =	shalt  }
0x54: {  	_ =	shalt  }
0x55: {  	_ =	shalt  }
0x56: {  	_ =	shalt  }
0x57: {  	_ =	shalt  }
0x58: {  	_ =	shalt  }
0x59: {  	_ =	shalt  }
0x5a: {  	_ =	shalt  }
0x5b: {  	_ =	shalt  }
0x5c: {  	_ =	shalt  }
0x5d: {  	_ =	shalt  }
0x5e: {  	_ =	shalt  }
0x5f: {  	_ =	shalt  }
0x60: {  	_ =	shalt  }
0x61: {  	_ =	shalt  }
0x62: {  	_ =	shalt  }
0x63: {  	_ =	shalt  }
0x64: {  	_ =	shalt  }
0x65: {  	_ =	shalt  }
0x66: {  	_ =	shalt  }
0x67: {  	_ =	shalt  }
0x68: {  	_ =	shalt  }
0x69: {  	_ =	shalt  }
0x6a: {  	_ =	shalt  }
0x6b: {  	_ =	shalt  }
0x6c: {  	_ =	shalt  }
0x6d: {  	_ =	shalt  }
0x6e: {  	_ =	shalt  }
0x6f: {  	_ =	shalt  }
0x70: {  	_ =	shalt  }
0x71: {  	_ =	shalt  }
0x72: {  	_ =	shalt  }
0x73: {  	_ =	shalt  }
0x74: {  	_ =	shalt  }
0x75: {  	_ =	shalt  }
0x76: {  	_ =	shalt  }
0x77: {  	_ =	shalt  }
0x78: {  	_ =	shalt  }
0x79: {  	_ =	shalt  }
0x7a: {  	_ =	shalt  }
0x7b: {  	_ =	shalt  }
0x7c: {  	_ =	shalt  }
0x7d: {  	_ =	shalt  }
0x7e: {  	_ =	shalt  }
0x7f: {  	_ =	shalt  }
0x80: {  	_ =	shalt  }
0x81: {  	_ =	shalt  }
0x82: {  	_ =	shalt  }
0x83: {  	_ =	shalt  }
0x84: {  	_ =	shalt  }
0x85: {  	_ =	shalt  }
0x86: {  	_ =	shalt  }
0x87: {  	_ =	shalt  }
.Lfunc_end0:
.L_simem_size_0:
called_computation_lowered:
.L_overlay_start_0:
0x88: {  	s2 =	sld [smem:$0x3FD9]  }
0x89: {  	s3 =	sld [smem:$0x3FFE];
	_ =	sdelay $0x1  }
0x8a: {  	s1 =	srdreg.scid  }
0x8b: {  	s0 =	sand.u32 $0x1, s1  }
0x8c: {  	s14 =	sshll.u32 s0, $0xA;
	s2 =	sadd.s32 s3, s2  }
0x8d: {  	s2 =	sadd.s32 s2, s14  }
0x8e: {  	[smem:$0x3FC5] =	sst s2  }
0x8f: {  	_ = 	snop  }
0x90: {  	s2 =	sld [smem:$0x3FD0];
	_ =	sdelay $0x1  }
0x91: {  	s15 =	sld [smem:$0x3FC8]  }
0x92: {  	s5 =	simm.s32 $0xA;
	s6 =	simm.s32 $0x10;
	s4 =	sld [smem:$0x3FC7]  }
0x93: {  	[smem:s6], [sflag:s5] =	dma.local [hbm:s2], $0x1  }
0x94: {  	_ =	swait.eq [sflag:s5], $0x1  }
0x95: {  	[sflag:s5] =	ssyncset.done $0x0  }
0x96: {  	s16 =	sld [smem:$0x10];
	[sflag:s5] =	ssyncadd.s32 $0xFFFFFFFF  }
0x97: {  	s17 =	sld [smem:$0x11];
	(tm) =	ssettm $0x1  }
0x98: {  	s18 =	sld [smem:$0x3FFB];
	_ =	sdelay $0x3  }
0x99: {  	_ =	strace s18  }
0x9a: {  	s6 =	sld [smem:$0x3FFC];
	_ =	sdelay $0x3  }
0x9b: {  	_ =	strace s6  }
0x9c: {  	s6 =	sld [smem:$0x3FFD];
	_ =	sdelay $0x3  }
0x9d: {  	_ =	strace s6  }
0x9e: {  	_ =	strace $0x8FFFFFFF  }
0x9f: {  	s19 =	sld [smem:$0x3FDB];
	_ =	sdelay $0x1  }
0xa0: {  	s7 =	simm.s32 $_scs_section_size  }
0xa1: {  	s8 =	simm.s32 $_size__tile_overlayer_lowered;
	s9 =	simm.s32 $_tile_overlayer_lowered  }
0xa2: {  	s22 =	simm.s32 $0x1BFF;
	s21 =	sshll.u32 s9, $0x1;
	s6 =	sadd.s32 s7, s19  }
0xa3: {  	s10 =	simm.s32 $0x0;
	s20 =	sshll.u32 s8, $0x1;
	s8 =	sadd.s32 s21, s6  }
0xa4: {  	[timem:s10], [sflag:s22] =	dma.local [hbm:s8], s20  }
0xa5: {  	_ =	swait.ge [sflag:s22], s20  }
0xa6: {  	s7 =	ssub.s32 $0x0, s20;
	[sflag:s22] =	ssyncset.done $0x0  }
0xa7: {  	[sflag:s22] =	ssyncadd.s32 s7;
	_ =	sdelay $0x1  }
0xa8: {  	s23 =	simm.s32 $0x1B8B  }
0xa9: {  	_ =	swait.ge [sflag:s23], $0x1  }
0xaa: {  	[sflag:s23] =	ssyncset.done $0x0  }
0xab: {  	s25 =	simm.s32 $0x1B8E;
	s24 =	sld [smem:$0x3FFE];
	[sflag:s23] =	ssyncadd.s32 $0xFFFFFFFF  }
0xac: {  	s26 =	simm.s32 $execute0_lowered;
	[smem:$0x3FD2] =	sst s25  }
0xad: {  	s8 =	sshll.u32 s26, $0x1;
	_ =	strace $0x80000046;
	[dreg:$0x1] =	wrdreg $0xFFFFFFFF  }
0xae: {  	s28 =	simm.s32 $_size_execute0_lowered;
	s6 =	sadd.s32 s6, s8;
	[dreg:$0x0] =	wrdreg $0x0  }
0xaf: {  	s8 =	sshll.u32 s28, $0x1;
	[dreg:$0x2] =	wrdreg s6  }
0xb0: {  	[dreg:$0x3] =	wrdreg s8  }
0xb1: {  	[dreg:$0x4] =	wrdreg $0xC0  }
0xb2: {  	_ =	task [dreg:s10], $0x5FFFF  }
0xb3: {  	[dreg:$0x1] =	wrdreg $0xFFFFFFFF  }
0xb4: {  	[dreg:$0x0] =	wrdreg $0x60  }
0xb5: {  	[dreg:$0x2] =	wrdreg s24  }
0xb6: {  	[dreg:$0x3] =	wrdreg s15  }
0xb7: {  	[dreg:$0x4] =	wrdreg s4  }
0xb8: {  	[dreg:$0x5] =	wrdreg s16  }
0xb9: {  	[dreg:$0x6] =	wrdreg s17  }
0xba: {  	[dreg:$0x7] =	wrdreg $0x9  }
0xbb: {  	_ =	task.clear_ibuf [dreg:s10], $0x8FFFF;
	_ =	strace $0x90000046  }
0xbc: {  	s29 =	simm.s32 $0x9;
	_ =	strace $0x80000048  }
0xbd: {  	_ =	swait.ge [sflag:s29], $0x1  }
0xbe: {  	[sflag:s29] =	ssyncadd.s32 $0xFFFFFFFF  }
0xbf: {  	_ =	strace $0x90000048  }
0xc0: {  	_ =	sfence  }
0xc1: {  	s30 =	sld [smem:$0x0];
	_ =	sdelay $0x2  }
0xc2: {  	s31 =	sshll.u32 s1, $0xD;
	s1 =	sshrl.u32 s1, $0x2  }
0xc3: {  	s3 =	sand.u32 $0x4000, s31;
	s1 =	sadd.s32 s1, s30  }
0xc4: {  	s0 =	sor.u32 s3, s0;
	s1 =	sshll.u32 s1, $0x11  }
0xc5: {  	s0 =	sor.u32 s1, s0  }
0xc6: {  	s0 =	sadd.s32 $0x8F2B, s0  }
0xc7: {  	[sflag:s0] =	ssyncadd.remote.s32 $0x1  }
0xc8: {  	_ =	sfence.sel $0xFFFF  }
0xc9: {  	[dreg:$0x0] =	wrdreg $0xFFFFFFFF;
	(pc) =	sbr.abs _section_cstart, $3  }
0xca: {  	[dreg:$0x1] =	wrdreg $0xFFFFFFFF  }
0xcb: {  	_ =	task.clear_ibuf [dreg:s10], $0x2FFFF;
	_ =	strace $0x9FFFFFFF  }
0xcc: {  	(tm) =	ssettm $0x7FFFFFFF  }
0xcd: {  	_ =	shalt  }
tec
execute0_lowered:
.L_overlay_start_1:
0x0: {  	(tag) =	ssettag $0x1  }
0x1: {  	s0 =	rddreg [dreg:$0x0]  }
0x2: {  	s3 =	rddreg [dreg:$0x1]  }
0x3: {  	s1 =	srdreg.scid;
	s4 =	rddreg [dreg:$0x2]  }
0x4: {  	s2 =	stileid.u32;
	s5 =	rddreg [dreg:$0x3]  }
0x5: {  	s7 =	rddreg [dreg:$0x4];
	s30 =	simm.s32 $0xD;
	s1 =	sand.u32 $0x1, s1  }
0x6: {  	s31 =	simm.s32 $0x100;
	s2 =	sshll.u32 s2, $0xB;
	s6 =	sshll.u32 s1, $0xA  }
0x7: {  	s29 =	simm.s32 $0x180;
	s28 =	simm.s32 $0x200;
	s6 =	sor.u32 s6, s2  }
0x8: {  	s2 =	simm.s32 $0x0;
	s8 =	sshrl.u32 s6, $0x3;
	s6 =	sshll.u32 s6, $0x4  }
0x9: {  	[smem:$0x7FF] =	sst s2;
	s0 =	sadd.s32 s8, s0;
	s21 =	sadd.s32 s5, s6  }
0xa: {  	_ =	strace $0x80000047;
	s22 =	sadd.s32 s7, s6;
	[dreg:$0x7] =	wrdreg s21  }
0xb: {  	s23 =	sor.u32 $0x800, s6;
	s0 =	sadd.s32 $0x800, s0;
	[dreg:$0x8] =	wrdreg s22  }
0xc: {  	p0 =	por $0x0, $0x0;
	s24 =	sadd.s32 s5, s23;
	[dreg:$0x6] =	wrdreg s0  }
0xd: {  	s26 =	sor.u32 $0x1000, s6;
	s25 =	sadd.s32 s7, s23;
	[dreg:$0x9] =	wrdreg s24  }
0xe: {  	s1 =	ssub.s32 $0x2, s1;
	s9 =	sadd.s32 s5, s26;
	[dreg:$0xa] =	wrdreg s25  }
0xf: {  	s11 =	sor.u32 $0x1800, s6;
	s10 =	sadd.s32 s7, s26;
	[dreg:$0xb] =	wrdreg s9  }
0x10: {  	s14 =	sor.u32 $0x2000, s6;
	s12 =	sadd.s32 s5, s11;
	[dreg:$0xc] =	wrdreg s10  }
0x11: {  	s17 =	sor.u32 $0x2800, s6;
	s13 =	sadd.s32 s7, s11;
	[dreg:$0xd] =	wrdreg s12  }
0x12: {  	s20 =	sor.u32 $0x3000, s6;
	s15 =	sadd.s32 s5, s14;
	[dreg:$0xe] =	wrdreg s13  }
0x13: {  	s6 =	sor.u32 $0x3800, s6;
	s16 =	sadd.s32 s7, s14;
	[dreg:$0xf] =	wrdreg s15  }
0x14: {  	s8 =	simm.s32 $0x4;
	s18 =	sadd.s32 s5, s17;
	[dreg:$0x10] =	wrdreg s16  }
0x15: {  	s19 =	sadd.s32 s7, s17;
	s21 =	sadd.s32 s5, s20;
	[dreg:$0x11] =	wrdreg s18  }
0x16: {  	s22 =	sadd.s32 s7, s20;
	s23 =	sshrl.u32 s1, $0x1;
	[dreg:$0x12] =	wrdreg s19  }
0x17: {  	s20 =	simm.s32 $0x80;
	s11 =	simm.s32 $0xC400;
	[dreg:$0x13] =	wrdreg s21  }
0x18: {  	s17 =	simm.s32 $0x6;
	s14 =	simm.s32 $0xC;
	[dreg:$0x14] =	wrdreg s22  }
0x19: {  	s24 =	sadd.s32 s5, s6;
	s1 =	ssub.s32 s1, s23;
	s25 =	sadd.s32 s7, s6  }
0x1a: {  	s13 =	simm.s32 $0x400;
	s10 =	simm.s32 $0x4400;
	s9 =	simm.s32 $0x10400  }
0x1b: {  	s21 =	simm.s32 $0x8400;
	s19 =	simm.s32 $0x14400;
	s26 =	smax.u32 s1, $0x1  }
0x1c: {  	s18 =	simm.s32 $0x1;
	s16 =	simm.s32 $0x7;
	p1 =	sne.s32 s26, $0x1  }
.Ltmp0:
0x1d: {  	s6 =	simm.s32 $0xA;
	s15 =	simm.s32 $0x2;
	(pc) =	sbr.rel @!p1 .LBB2_3-.Ltmp0, $4  }
0x1e: {  	s12 =	simm.s32 $0x8;
	s7 =	simm.s32 $0x5;
	s5 =	simm.s32 $0xB  }
0x1f: {  	s23 =	simm.s32 $0x3;
	s22 =	simm.s32 $0x9;
	[dreg:$0x15] =	wrdreg s24  }
0x20: {  	[dreg:$0x16] =	wrdreg s25;
	s25 =	simm.s32 $0x300;
	s24 =	simm.s32 $0x380  }
0x21: {  	s0 =	rddreg [dreg:$0x6];
	s1 =	sadd.s32 $0xFFFFFFFF, s26;
	s26 =	simm.s32 $0x280  }
0x22: {  	[tilespmem:s2], [sflag:$0xD] =	stream.linear.gather [hbm4b:s0+s2], $0x400, $0x38;
	[tilespmem:$0x18400] =	vst v63  }
0x23: {  	_ =	swait.ge [sflag:s30], $0x400  }
0x24: {  	[sflag:s30] =	ssyncset.done $0x0  }
0x25: {  	[sflag:s30] =	ssyncadd.s32 $0xFFFFFC00  }
0x26: {  	[tilespmem:s13], [sflag:$0x1] =	stream.indirect.gather [hbm4b:s3+s20], $0x80, s2, s20, $0xb8;
	[tilespmem:$0x18400] =	vst v63  }
0x27: {  	_ = 	snop  }
0x28: {  	[tilespmem:s11], [sflag:$0x7] =	stream.indirect.gather [hbm4b:s4+s20], $0x80, s2, s20, $0xb8;
	[tilespmem:$0x18400] =	vst v63  }
0x29: {  	_ = 	snop  }
0x2a: {  	[tilespmem:s10], [sflag:$0x2] =	stream.indirect.gather [hbm4b:s3+s20], $0x80, s20, s20, $0xb8;
	[tilespmem:$0x18400] =	vst v63  }
0x2b: {  	_ = 	snop  }
0x2c: {  	[tilespmem:s9], [sflag:$0x8] =	stream.indirect.gather [hbm4b:s4+s20], $0x80, s20, s20, $0xb8;
	[tilespmem:$0x18400] =	vst v63  }
0x2d: {  	_ = 	snop  }
0x2e: {  	[tilespmem:s21], [sflag:$0x3] =	stream.indirect.gather [hbm4b:s3+s20], $0x80, s31, s20, $0xb8;
	[tilespmem:$0x18400] =	vst v63  }
0x2f: {  	_ = 	snop  }
0x30: {  	[tilespmem:s19], [sflag:$0x9] =	stream.indirect.gather [hbm4b:s4+s20], $0x80, s31, s20, $0xb8;
	[tilespmem:$0x18400] =	vst v63  }
0x31: {  	_ =	swait.ge [sflag:s18], $0x4000  }
0x32: {  	[sflag:s18] =	ssyncset.done $0x0  }
0x33: {  	s0 =	rddreg [dreg:$0x7];
	[sflag:s18] =	ssyncadd.s32 $0xFFFFC000  }
0x34: {  	[hbm4b:s0+s2] =	stream.linear.scatter [tilespmem:s13], [sflag:$0x4], $0x4000, $0x38;
	[tilespmem:$0x18400] =	vst v63  }
0x35: {  	_ =	swait.ge [sflag:s16], $0x4000  }
0x36: {  	[sflag:s16] =	ssyncset.done $0x0  }
0x37: {  	s0 =	rddreg [dreg:$0x8];
	[sflag:s16] =	ssyncadd.s32 $0xFFFFC000  }
0x38: {  	[hbm4b:s0+s2] =	stream.linear.scatter [tilespmem:s11], [sflag:$0xA], $0x4000, $0x38;
	[tilespmem:$0x18400] =	vst v63  }
0x39: {  	_ =	swait.ge [sflag:s8], $0x4000  }
0x3a: {  	[sflag:s8] =	ssyncset.done $0x0  }
0x3b: {  	[sflag:s8] =	ssyncadd.s32 $0xFFFFC000  }
0x3c: {  	_ =	swait.ge [sflag:s6], $0x4000  }
0x3d: {  	[sflag:s6] =	ssyncset.done $0x0  }
0x3e: {  	[sflag:s6] =	ssyncadd.s32 $0xFFFFC000  }
0x3f: {  	[tilespmem:s13], [sflag:$0x1] =	stream.indirect.gather [hbm4b:s3+s20], $0x80, s29, s20, $0xb8;
	[tilespmem:$0x18400] =	vst v63  }
0x40: {  	_ = 	snop  }
0x41: {  	[tilespmem:s11], [sflag:$0x7] =	stream.indirect.gather [hbm4b:s4+s20], $0x80, s29, s20, $0xb8;
	[tilespmem:$0x18400] =	vst v63  }
0x42: {  	_ =	swait.ge [sflag:s15], $0x4000  }
0x43: {  	[sflag:s15] =	ssyncset.done $0x0  }
0x44: {  	s0 =	rddreg [dreg:$0x9];
	[sflag:s15] =	ssyncadd.s32 $0xFFFFC000  }
0x45: {  	[hbm4b:s0+s2] =	stream.linear.scatter [tilespmem:s10], [sflag:$0x5], $0x4000, $0x38;
	[tilespmem:$0x18400] =	vst v63  }
0x46: {  	_ =	swait.ge [sflag:s12], $0x4000  }
0x47: {  	[sflag:s12] =	ssyncset.done $0x0  }
0x48: {  	s0 =	rddreg [dreg:$0xa];
	[sflag:s12] =	ssyncadd.s32 $0xFFFFC000  }
0x49: {  	[hbm4b:s0+s2] =	stream.linear.scatter [tilespmem:s9], [sflag:$0xB], $0x4000, $0x38;
	[tilespmem:$0x18400] =	vst v63  }
0x4a: {  	_ =	swait.ge [sflag:s7], $0x4000  }
0x4b: {  	[sflag:s7] =	ssyncset.done $0x0  }
0x4c: {  	[sflag:s7] =	ssyncadd.s32 $0xFFFFC000  }
0x4d: {  	_ =	swait.ge [sflag:s5], $0x4000  }
0x4e: {  	[sflag:s5] =	ssyncset.done $0x0  }
0x4f: {  	[sflag:s5] =	ssyncadd.s32 $0xFFFFC000  }
0x50: {  	[tilespmem:s10], [sflag:$0x2] =	stream.indirect.gather [hbm4b:s3+s20], $0x80, s28, s20, $0xb8;
	[tilespmem:$0x18400] =	vst v63  }
0x51: {  	_ = 	snop  }
0x52: {  	[tilespmem:s9], [sflag:$0x8] =	stream.indirect.gather [hbm4b:s4+s20], $0x80, s28, s20, $0xb8;
	[tilespmem:$0x18400] =	vst v63  }
0x53: {  	_ =	swait.ge [sflag:s23], $0x4000  }
0x54: {  	[sflag:s23] =	ssyncset.done $0x0  }
0x55: {  	s0 =	rddreg [dreg:$0xb];
	[sflag:s23] =	ssyncadd.s32 $0xFFFFC000  }
0x56: {  	[hbm4b:s0+s2] =	stream.linear.scatter [tilespmem:s21], [sflag:$0x6], $0x4000, $0x38;
	[tilespmem:$0x18400] =	vst v63  }
0x57: {  	_ =	swait.ge [sflag:s22], $0x4000  }
0x58: {  	[sflag:s22] =	ssyncset.done $0x0  }
0x59: {  	s0 =	rddreg [dreg:$0xc];
	[sflag:s22] =	ssyncadd.s32 $0xFFFFC000  }
0x5a: {  	[hbm4b:s0+s2] =	stream.linear.scatter [tilespmem:s19], [sflag:$0xC], $0x4000, $0x38;
	[tilespmem:$0x18400] =	vst v63  }
0x5b: {  	_ =	swait.ge [sflag:s17], $0x4000  }
0x5c: {  	[sflag:s17] =	ssyncset.done $0x0  }
0x5d: {  	[sflag:s17] =	ssyncadd.s32 $0xFFFFC000  }
0x5e: {  	_ =	swait.ge [sflag:s14], $0x4000  }
0x5f: {  	[sflag:s14] =	ssyncset.done $0x0  }
0x60: {  	[sflag:s14] =	ssyncadd.s32 $0xFFFFC000  }
0x61: {  	[tilespmem:s21], [sflag:$0x3] =	stream.indirect.gather [hbm4b:s3+s20], $0x80, s26, s20, $0xb8;
	[tilespmem:$0x18400] =	vst v63  }
0x62: {  	_ = 	snop  }
0x63: {  	[tilespmem:s19], [sflag:$0x9] =	stream.indirect.gather [hbm4b:s4+s20], $0x80, s26, s20, $0xb8;
	[tilespmem:$0x18400] =	vst v63  }
0x64: {  	_ =	swait.ge [sflag:s18], $0x4000  }
0x65: {  	[sflag:s18] =	ssyncset.done $0x0  }
0x66: {  	s0 =	rddreg [dreg:$0xd];
	[sflag:s18] =	ssyncadd.s32 $0xFFFFC000  }
0x67: {  	[hbm4b:s0+s2] =	stream.linear.scatter [tilespmem:s13], [sflag:$0x4], $0x4000, $0x38;
	[tilespmem:$0x18400] =	vst v63  }
0x68: {  	_ =	swait.ge [sflag:s16], $0x4000  }
0x69: {  	[sflag:s16] =	ssyncset.done $0x0  }
0x6a: {  	s0 =	rddreg [dreg:$0xe];
	[sflag:s16] =	ssyncadd.s32 $0xFFFFC000  }
0x6b: {  	[hbm4b:s0+s2] =	stream.linear.scatter [tilespmem:s11], [sflag:$0xA], $0x4000, $0x38;
	[tilespmem:$0x18400] =	vst v63  }
0x6c: {  	_ =	swait.ge [sflag:s8], $0x4000  }
0x6d: {  	[sflag:s8] =	ssyncset.done $0x0  }
0x6e: {  	[sflag:s8] =	ssyncadd.s32 $0xFFFFC000  }
0x6f: {  	_ =	swait.ge [sflag:s6], $0x4000  }
0x70: {  	[sflag:s6] =	ssyncset.done $0x0  }
0x71: {  	[sflag:s6] =	ssyncadd.s32 $0xFFFFC000  }
0x72: {  	[tilespmem:s13], [sflag:$0x1] =	stream.indirect.gather [hbm4b:s3+s20], $0x80, s25, s20, $0xb8;
	[tilespmem:$0x18400] =	vst v63  }
0x73: {  	_ = 	snop  }
0x74: {  	[tilespmem:s11], [sflag:$0x7] =	stream.indirect.gather [hbm4b:s4+s20], $0x80, s25, s20, $0xb8;
	[tilespmem:$0x18400] =	vst v63  }
0x75: {  	_ =	swait.ge [sflag:s15], $0x4000  }
0x76: {  	[sflag:s15] =	ssyncset.done $0x0  }
0x77: {  	s0 =	rddreg [dreg:$0xf];
	[sflag:s15] =	ssyncadd.s32 $0xFFFFC000  }
0x78: {  	[hbm4b:s0+s2] =	stream.linear.scatter [tilespmem:s10], [sflag:$0x5], $0x4000, $0x38;
	[tilespmem:$0x18400] =	vst v63  }
0x79: {  	_ =	swait.ge [sflag:s12], $0x4000  }
0x7a: {  	[sflag:s12] =	ssyncset.done $0x0  }
0x7b: {  	s0 =	rddreg [dreg:$0x10];
	[sflag:s12] =	ssyncadd.s32 $0xFFFFC000  }
0x7c: {  	[hbm4b:s0+s2] =	stream.linear.scatter [tilespmem:s9], [sflag:$0xB], $0x4000, $0x38;
	[tilespmem:$0x18400] =	vst v63  }
0x7d: {  	_ =	swait.ge [sflag:s7], $0x4000  }
0x7e: {  	[sflag:s7] =	ssyncset.done $0x0  }
0x7f: {  	[sflag:s7] =	ssyncadd.s32 $0xFFFFC000  }
0x80: {  	_ =	swait.ge [sflag:s5], $0x4000  }
0x81: {  	[sflag:s5] =	ssyncset.done $0x0  }
0x82: {  	[sflag:s5] =	ssyncadd.s32 $0xFFFFC000  }
0x83: {  	[tilespmem:s10], [sflag:$0x2] =	stream.indirect.gather [hbm4b:s3+s20], $0x80, s24, s20, $0xb8;
	[tilespmem:$0x18400] =	vst v63  }
0x84: {  	_ = 	snop  }
0x85: {  	[tilespmem:s9], [sflag:$0x8] =	stream.indirect.gather [hbm4b:s4+s20], $0x80, s24, s20, $0xb8;
	[tilespmem:$0x18400] =	vst v63  }
0x86: {  	_ =	swait.ge [sflag:s23], $0x4000  }
0x87: {  	[sflag:s23] =	ssyncset.done $0x0  }
0x88: {  	s0 =	rddreg [dreg:$0x11];
	[sflag:s23] =	ssyncadd.s32 $0xFFFFC000  }
0x89: {  	[hbm4b:s0+s2] =	stream.linear.scatter [tilespmem:s21], [sflag:$0x6], $0x4000, $0x38;
	[tilespmem:$0x18400] =	vst v63  }
0x8a: {  	_ =	swait.ge [sflag:s22], $0x4000  }
0x8b: {  	[sflag:s22] =	ssyncset.done $0x0  }
0x8c: {  	s0 =	rddreg [dreg:$0x12];
	[sflag:s22] =	ssyncadd.s32 $0xFFFFC000  }
0x8d: {  	[hbm4b:s0+s2] =	stream.linear.scatter [tilespmem:s19], [sflag:$0xC], $0x4000, $0x38;
	[tilespmem:$0x18400] =	vst v63  }
0x8e: {  	_ =	swait.ge [sflag:s18], $0x4000  }
0x8f: {  	[sflag:s18] =	ssyncset.done $0x0  }
0x90: {  	s0 =	rddreg [dreg:$0x13];
	[sflag:s18] =	ssyncadd.s32 $0xFFFFC000  }
0x91: {  	[hbm4b:s0+s2] =	stream.linear.scatter [tilespmem:s13], [sflag:$0x4], $0x4000, $0x38;
	[tilespmem:$0x18400] =	vst v63  }
0x92: {  	_ =	swait.ge [sflag:s16], $0x4000  }
0x93: {  	[sflag:s16] =	ssyncset.done $0x0  }
0x94: {  	s0 =	rddreg [dreg:$0x14];
	[sflag:s16] =	ssyncadd.s32 $0xFFFFC000  }
0x95: {  	[hbm4b:s0+s2] =	stream.linear.scatter [tilespmem:s11], [sflag:$0xA], $0x4000, $0x38;
	[tilespmem:$0x18400] =	vst v63  }
0x96: {  	_ =	swait.ge [sflag:s15], $0x4000  }
0x97: {  	[sflag:s15] =	ssyncset.done $0x0  }
0x98: {  	s0 =	rddreg [dreg:$0x15];
	[sflag:s15] =	ssyncadd.s32 $0xFFFFC000  }
0x99: {  	[hbm4b:s0+s2] =	stream.linear.scatter [tilespmem:s10], [sflag:$0x5], $0x4000, $0x38;
	[tilespmem:$0x18400] =	vst v63  }
0x9a: {  	_ =	swait.ge [sflag:s12], $0x4000  }
0x9b: {  	[sflag:s12] =	ssyncset.done $0x0  }
0x9c: {  	s0 =	rddreg [dreg:$0x16];
	[sflag:s12] =	ssyncadd.s32 $0xFFFFC000  }
0x9d: {  	[hbm4b:s0+s2] =	stream.linear.scatter [tilespmem:s9], [sflag:$0xB], $0x4000, $0x38;
	[tilespmem:$0x18400] =	vst v63  }
0x9e: {  	_ =	swait.ge [sflag:s17], $0x4000  }
0x9f: {  	[sflag:s17] =	ssyncset.done $0x0  }
0xa0: {  	[sflag:s17] =	ssyncadd.s32 $0xFFFFC000  }
0xa1: {  	_ =	swait.ge [sflag:s14], $0x4000  }
0xa2: {  	[sflag:s14] =	ssyncset.done $0x0  }
0xa3: {  	[sflag:s14] =	ssyncadd.s32 $0xFFFFC000  }
0xa4: {  	_ =	swait.ge [sflag:s8], $0x4000  }
0xa5: {  	[sflag:s8] =	ssyncset.done $0x0  }
0xa6: {  	[sflag:s8] =	ssyncadd.s32 $0xFFFFC000  }
0xa7: {  	_ =	swait.ge [sflag:s6], $0x4000  }
0xa8: {  	[sflag:s6] =	ssyncset.done $0x0  }
0xa9: {  	p1 =	sne.s32 s1, $0x1;
	[sflag:s6] =	ssyncadd.s32 $0xFFFFC000  }
.Ltmp1:
0xaa: {  	_ =	swait.ge [sflag:s7], $0x4000;
	(pc) =	sbr.rel @!p1 .LBB2_3-.Ltmp1, $4  }
0xab: {  	[sflag:s7] =	ssyncset.done $0x0  }
0xac: {  	[sflag:s7] =	ssyncadd.s32 $0xFFFFC000  }
0xad: {  	s1 =	sadd.s32 $0xFFFFFFFF, s1;
	_ =	swait.ge [sflag:s5], $0x4000  }
0xae: {  	p0 =	por $0x1, $0x1;
	s0 =	rddreg [dreg:$0x6];
	[sflag:s5] =	ssyncset.done $0x0  }
.LBB2_2:
0xaf: {  	[sflag:s5] =	ssyncadd.s32 $0xFFFFC000  }
0xb0: {  	[tilespmem:s2], [sflag:$0xD] =	stream.linear.gather [hbm4b:s0+s2], $0x400, $0x38;
	[tilespmem:$0x18400] =	vst v63  }
0xb1: {  	_ =	swait.ge [sflag:s30], $0x400  }
0xb2: {  	[sflag:s30] =	ssyncset.done $0x0  }
0xb3: {  	[sflag:s30] =	ssyncadd.s32 $0xFFFFFC00  }
0xb4: {  	[tilespmem:s13], [sflag:$0x1] =	stream.indirect.gather [hbm4b:s3+s20], $0x80, s2, s20, $0xb8;
	[tilespmem:$0x18400] =	vst v63  }
0xb5: {  	_ = 	snop  }
0xb6: {  	[tilespmem:s11], [sflag:$0x7] =	stream.indirect.gather [hbm4b:s4+s20], $0x80, s2, s20, $0xb8;
	[tilespmem:$0x18400] =	vst v63  }
0xb7: {  	_ = 	snop  }
0xb8: {  	[tilespmem:s10], [sflag:$0x2] =	stream.indirect.gather [hbm4b:s3+s20], $0x80, s20, s20, $0xb8;
	[tilespmem:$0x18400] =	vst v63  }
0xb9: {  	_ = 	snop  }
0xba: {  	[tilespmem:s9], [sflag:$0x8] =	stream.indirect.gather [hbm4b:s4+s20], $0x80, s20, s20, $0xb8;
	[tilespmem:$0x18400] =	vst v63  }
0xbb: {  	_ = 	snop  }
0xbc: {  	[tilespmem:s21], [sflag:$0x3] =	stream.indirect.gather [hbm4b:s3+s20], $0x80, s31, s20, $0xb8;
	[tilespmem:$0x18400] =	vst v63  }
0xbd: {  	_ = 	snop  }
0xbe: {  	[tilespmem:s19], [sflag:$0x9] =	stream.indirect.gather [hbm4b:s4+s20], $0x80, s31, s20, $0xb8;
	[tilespmem:$0x18400] =	vst v63  }
0xbf: {  	_ =	swait.ge [sflag:s18], $0x4000  }
0xc0: {  	[sflag:s18] =	ssyncset.done $0x0  }
0xc1: {  	s0 =	rddreg [dreg:$0x7];
	[sflag:s18] =	ssyncadd.s32 $0xFFFFC000  }
0xc2: {  	[hbm4b:s0+s2] =	stream.linear.scatter [tilespmem:s13], [sflag:$0x4], $0x4000, $0x38;
	[tilespmem:$0x18400] =	vst v63  }
0xc3: {  	_ =	swait.ge [sflag:s16], $0x4000  }
0xc4: {  	[sflag:s16] =	ssyncset.done $0x0  }
0xc5: {  	s0 =	rddreg [dreg:$0x8];
	[sflag:s16] =	ssyncadd.s32 $0xFFFFC000  }
0xc6: {  	[hbm4b:s0+s2] =	stream.linear.scatter [tilespmem:s11], [sflag:$0xA], $0x4000, $0x38;
	[tilespmem:$0x18400] =	vst v63  }
0xc7: {  	_ =	swait.ge [sflag:s8], $0x4000  }
0xc8: {  	[sflag:s8] =	ssyncset.done $0x0  }
0xc9: {  	[sflag:s8] =	ssyncadd.s32 $0xFFFFC000  }
0xca: {  	_ =	swait.ge [sflag:s6], $0x4000  }
0xcb: {  	[sflag:s6] =	ssyncset.done $0x0  }
0xcc: {  	[sflag:s6] =	ssyncadd.s32 $0xFFFFC000  }
0xcd: {  	[tilespmem:s13], [sflag:$0x1] =	stream.indirect.gather [hbm4b:s3+s20], $0x80, s29, s20, $0xb8;
	[tilespmem:$0x18400] =	vst v63  }
0xce: {  	_ = 	snop  }
0xcf: {  	[tilespmem:s11], [sflag:$0x7] =	stream.indirect.gather [hbm4b:s4+s20], $0x80, s29, s20, $0xb8;
	[tilespmem:$0x18400] =	vst v63  }
0xd0: {  	_ =	swait.ge [sflag:s15], $0x4000  }
0xd1: {  	[sflag:s15] =	ssyncset.done $0x0  }
0xd2: {  	s0 =	rddreg [dreg:$0x9];
	[sflag:s15] =	ssyncadd.s32 $0xFFFFC000  }
0xd3: {  	[hbm4b:s0+s2] =	stream.linear.scatter [tilespmem:s10], [sflag:$0x5], $0x4000, $0x38;
	[tilespmem:$0x18400] =	vst v63  }
0xd4: {  	_ =	swait.ge [sflag:s12], $0x4000  }
0xd5: {  	[sflag:s12] =	ssyncset.done $0x0  }
0xd6: {  	s0 =	rddreg [dreg:$0xa];
	[sflag:s12] =	ssyncadd.s32 $0xFFFFC000  }
0xd7: {  	[hbm4b:s0+s2] =	stream.linear.scatter [tilespmem:s9], [sflag:$0xB], $0x4000, $0x38;
	[tilespmem:$0x18400] =	vst v63  }
0xd8: {  	_ =	swait.ge [sflag:s7], $0x4000  }
0xd9: {  	[sflag:s7] =	ssyncset.done $0x0  }
0xda: {  	[sflag:s7] =	ssyncadd.s32 $0xFFFFC000  }
0xdb: {  	_ =	swait.ge [sflag:s5], $0x4000  }
0xdc: {  	[sflag:s5] =	ssyncset.done $0x0  }
0xdd: {  	[sflag:s5] =	ssyncadd.s32 $0xFFFFC000  }
0xde: {  	[tilespmem:s10], [sflag:$0x2] =	stream.indirect.gather [hbm4b:s3+s20], $0x80, s28, s20, $0xb8;
	[tilespmem:$0x18400] =	vst v63  }
0xdf: {  	_ = 	snop  }
0xe0: {  	[tilespmem:s9], [sflag:$0x8] =	stream.indirect.gather [hbm4b:s4+s20], $0x80, s28, s20, $0xb8;
	[tilespmem:$0x18400] =	vst v63  }
0xe1: {  	_ =	swait.ge [sflag:s23], $0x4000  }
0xe2: {  	[sflag:s23] =	ssyncset.done $0x0  }
0xe3: {  	s0 =	rddreg [dreg:$0xb];
	[sflag:s23] =	ssyncadd.s32 $0xFFFFC000  }
0xe4: {  	[hbm4b:s0+s2] =	stream.linear.scatter [tilespmem:s21], [sflag:$0x6], $0x4000, $0x38;
	[tilespmem:$0x18400] =	vst v63  }
0xe5: {  	_ =	swait.ge [sflag:s22], $0x4000  }
0xe6: {  	[sflag:s22] =	ssyncset.done $0x0  }
0xe7: {  	s0 =	rddreg [dreg:$0xc];
	[sflag:s22] =	ssyncadd.s32 $0xFFFFC000  }
0xe8: {  	[hbm4b:s0+s2] =	stream.linear.scatter [tilespmem:s19], [sflag:$0xC], $0x4000, $0x38;
	[tilespmem:$0x18400] =	vst v63  }
0xe9: {  	_ =	swait.ge [sflag:s17], $0x4000  }
0xea: {  	[sflag:s17] =	ssyncset.done $0x0  }
0xeb: {  	[sflag:s17] =	ssyncadd.s32 $0xFFFFC000  }
0xec: {  	_ =	swait.ge [sflag:s14], $0x4000  }
0xed: {  	[sflag:s14] =	ssyncset.done $0x0  }
0xee: {  	[sflag:s14] =	ssyncadd.s32 $0xFFFFC000  }
0xef: {  	[tilespmem:s21], [sflag:$0x3] =	stream.indirect.gather [hbm4b:s3+s20], $0x80, s26, s20, $0xb8;
	[tilespmem:$0x18400] =	vst v63  }
0xf0: {  	_ = 	snop  }
0xf1: {  	[tilespmem:s19], [sflag:$0x9] =	stream.indirect.gather [hbm4b:s4+s20], $0x80, s26, s20, $0xb8;
	[tilespmem:$0x18400] =	vst v63  }
0xf2: {  	_ =	swait.ge [sflag:s18], $0x4000  }
0xf3: {  	[sflag:s18] =	ssyncset.done $0x0  }
0xf4: {  	s0 =	rddreg [dreg:$0xd];
	[sflag:s18] =	ssyncadd.s32 $0xFFFFC000  }
0xf5: {  	[hbm4b:s0+s2] =	stream.linear.scatter [tilespmem:s13], [sflag:$0x4], $0x4000, $0x38;
	[tilespmem:$0x18400] =	vst v63  }
0xf6: {  	_ =	swait.ge [sflag:s16], $0x4000  }
0xf7: {  	[sflag:s16] =	ssyncset.done $0x0  }
0xf8: {  	s0 =	rddreg [dreg:$0xe];
	[sflag:s16] =	ssyncadd.s32 $0xFFFFC000  }
0xf9: {  	[hbm4b:s0+s2] =	stream.linear.scatter [tilespmem:s11], [sflag:$0xA], $0x4000, $0x38;
	[tilespmem:$0x18400] =	vst v63  }
0xfa: {  	_ =	swait.ge [sflag:s8], $0x4000  }
0xfb: {  	[sflag:s8] =	ssyncset.done $0x0  }
0xfc: {  	[sflag:s8] =	ssyncadd.s32 $0xFFFFC000  }
0xfd: {  	_ =	swait.ge [sflag:s6], $0x4000  }
0xfe: {  	[sflag:s6] =	ssyncset.done $0x0  }
0xff: {  	[sflag:s6] =	ssyncadd.s32 $0xFFFFC000  }
0x100: {  	[tilespmem:s13], [sflag:$0x1] =	stream.indirect.gather [hbm4b:s3+s20], $0x80, s25, s20, $0xb8;
	[tilespmem:$0x18400] =	vst v63  }
0x101: {  	_ = 	snop  }
0x102: {  	[tilespmem:s11], [sflag:$0x7] =	stream.indirect.gather [hbm4b:s4+s20], $0x80, s25, s20, $0xb8;
	[tilespmem:$0x18400] =	vst v63  }
0x103: {  	_ =	swait.ge [sflag:s15], $0x4000  }
0x104: {  	[sflag:s15] =	ssyncset.done $0x0  }
0x105: {  	s0 =	rddreg [dreg:$0xf];
	[sflag:s15] =	ssyncadd.s32 $0xFFFFC000  }
0x106: {  	[hbm4b:s0+s2] =	stream.linear.scatter [tilespmem:s10], [sflag:$0x5], $0x4000, $0x38;
	[tilespmem:$0x18400] =	vst v63  }
0x107: {  	_ =	swait.ge [sflag:s12], $0x4000  }
0x108: {  	[sflag:s12] =	ssyncset.done $0x0  }
0x109: {  	s0 =	rddreg [dreg:$0x10];
	[sflag:s12] =	ssyncadd.s32 $0xFFFFC000  }
0x10a: {  	[hbm4b:s0+s2] =	stream.linear.scatter [tilespmem:s9], [sflag:$0xB], $0x4000, $0x38;
	[tilespmem:$0x18400] =	vst v63  }
0x10b: {  	_ =	swait.ge [sflag:s7], $0x4000  }
0x10c: {  	[sflag:s7] =	ssyncset.done $0x0  }
0x10d: {  	[sflag:s7] =	ssyncadd.s32 $0xFFFFC000  }
0x10e: {  	_ =	swait.ge [sflag:s5], $0x4000  }
0x10f: {  	[sflag:s5] =	ssyncset.done $0x0  }
0x110: {  	[sflag:s5] =	ssyncadd.s32 $0xFFFFC000  }
0x111: {  	[tilespmem:s10], [sflag:$0x2] =	stream.indirect.gather [hbm4b:s3+s20], $0x80, s24, s20, $0xb8;
	[tilespmem:$0x18400] =	vst v63  }
0x112: {  	_ = 	snop  }
0x113: {  	[tilespmem:s9], [sflag:$0x8] =	stream.indirect.gather [hbm4b:s4+s20], $0x80, s24, s20, $0xb8;
	[tilespmem:$0x18400] =	vst v63  }
0x114: {  	_ =	swait.ge [sflag:s23], $0x4000  }
0x115: {  	[sflag:s23] =	ssyncset.done $0x0  }
0x116: {  	s0 =	rddreg [dreg:$0x11];
	[sflag:s23] =	ssyncadd.s32 $0xFFFFC000  }
0x117: {  	[hbm4b:s0+s2] =	stream.linear.scatter [tilespmem:s21], [sflag:$0x6], $0x4000, $0x38;
	[tilespmem:$0x18400] =	vst v63  }
0x118: {  	_ =	swait.ge [sflag:s22], $0x4000  }
0x119: {  	[sflag:s22] =	ssyncset.done $0x0  }
0x11a: {  	s0 =	rddreg [dreg:$0x12];
	[sflag:s22] =	ssyncadd.s32 $0xFFFFC000  }
0x11b: {  	[hbm4b:s0+s2] =	stream.linear.scatter [tilespmem:s19], [sflag:$0xC], $0x4000, $0x38;
	[tilespmem:$0x18400] =	vst v63  }
0x11c: {  	_ =	swait.ge [sflag:s18], $0x4000  }
0x11d: {  	[sflag:s18] =	ssyncset.done $0x0  }
0x11e: {  	s0 =	rddreg [dreg:$0x13];
	[sflag:s18] =	ssyncadd.s32 $0xFFFFC000  }
0x11f: {  	[hbm4b:s0+s2] =	stream.linear.scatter [tilespmem:s13], [sflag:$0x4], $0x4000, $0x38;
	[tilespmem:$0x18400] =	vst v63  }
0x120: {  	_ =	swait.ge [sflag:s16], $0x4000  }
0x121: {  	[sflag:s16] =	ssyncset.done $0x0  }
0x122: {  	s0 =	rddreg [dreg:$0x14];
	[sflag:s16] =	ssyncadd.s32 $0xFFFFC000  }
0x123: {  	[hbm4b:s0+s2] =	stream.linear.scatter [tilespmem:s11], [sflag:$0xA], $0x4000, $0x38;
	[tilespmem:$0x18400] =	vst v63  }
0x124: {  	_ =	swait.ge [sflag:s15], $0x4000  }
0x125: {  	[sflag:s15] =	ssyncset.done $0x0  }
0x126: {  	s0 =	rddreg [dreg:$0x15];
	[sflag:s15] =	ssyncadd.s32 $0xFFFFC000  }
0x127: {  	[hbm4b:s0+s2] =	stream.linear.scatter [tilespmem:s10], [sflag:$0x5], $0x4000, $0x38;
	[tilespmem:$0x18400] =	vst v63  }
0x128: {  	_ =	swait.ge [sflag:s12], $0x4000  }
0x129: {  	[sflag:s12] =	ssyncset.done $0x0  }
0x12a: {  	s0 =	rddreg [dreg:$0x16];
	[sflag:s12] =	ssyncadd.s32 $0xFFFFC000  }
0x12b: {  	[hbm4b:s0+s2] =	stream.linear.scatter [tilespmem:s9], [sflag:$0xB], $0x4000, $0x38;
	[tilespmem:$0x18400] =	vst v63  }
0x12c: {  	_ =	swait.ge [sflag:s17], $0x4000  }
0x12d: {  	[sflag:s17] =	ssyncset.done $0x0  }
0x12e: {  	[sflag:s17] =	ssyncadd.s32 $0xFFFFC000  }
0x12f: {  	_ =	swait.ge [sflag:s14], $0x4000  }
0x130: {  	[sflag:s14] =	ssyncset.done $0x0  }
0x131: {  	[sflag:s14] =	ssyncadd.s32 $0xFFFFC000  }
0x132: {  	_ =	swait.ge [sflag:s8], $0x4000  }
0x133: {  	[sflag:s8] =	ssyncset.done $0x0  }
0x134: {  	[sflag:s8] =	ssyncadd.s32 $0xFFFFC000  }
0x135: {  	_ =	swait.ge [sflag:s6], $0x4000  }
0x136: {  	[sflag:s6] =	ssyncset.done $0x0  }
0x137: {  	p1 =	sne.s32 s1, $0x1;
	[sflag:s6] =	ssyncadd.s32 $0xFFFFC000  }
.Ltmp2:
0x138: {  	_ =	swait.ge [sflag:s7], $0x4000;
	(pc) =	sbr.rel @p1 .LBB2_2-.Ltmp2, $4  }
0x139: {  	[sflag:s7] =	ssyncset.done $0x0  }
0x13a: {  	[sflag:s7] =	ssyncadd.s32 $0xFFFFC000  }
0x13b: {  	_ =	swait.ge [sflag:s5], $0x4000  }
0x13c: {  	s1 =	sadd.s32 $0xFFFFFFFF, s1;
	s0 =	rddreg [dreg:$0x6];
	[sflag:s5] =	ssyncset.done $0x0  }
.LBB2_3:
0x13d: {  	[sflag:s5] =	ssyncadd.s32 @p0 $0xFFFFC000  }
0x13e: {  	[tilespmem:s2], [sflag:$0xD] =	stream.linear.gather [hbm4b:s0+s2], $0x400, $0x38;
	[tilespmem:$0x18400] =	vst v63  }
0x13f: {  	_ =	swait.ge [sflag:s30], $0x400  }
0x140: {  	[sflag:s30] =	ssyncset.done $0x0  }
0x141: {  	[sflag:s30] =	ssyncadd.s32 $0xFFFFFC00  }
0x142: {  	[tilespmem:s13], [sflag:$0x1] =	stream.indirect.gather [hbm4b:s3+s20], $0x80, s2, s20, $0xb8;
	[tilespmem:$0x18400] =	vst v63  }
0x143: {  	_ = 	snop  }
0x144: {  	[tilespmem:s11], [sflag:$0x7] =	stream.indirect.gather [hbm4b:s4+s20], $0x80, s2, s20, $0xb8;
	[tilespmem:$0x18400] =	vst v63  }
0x145: {  	_ = 	snop  }
0x146: {  	[tilespmem:s10], [sflag:$0x2] =	stream.indirect.gather [hbm4b:s3+s20], $0x80, s20, s20, $0xb8;
	[tilespmem:$0x18400] =	vst v63  }
0x147: {  	_ = 	snop  }
0x148: {  	[tilespmem:s9], [sflag:$0x8] =	stream.indirect.gather [hbm4b:s4+s20], $0x80, s20, s20, $0xb8;
	[tilespmem:$0x18400] =	vst v63  }
0x149: {  	_ = 	snop  }
0x14a: {  	[tilespmem:s21], [sflag:$0x3] =	stream.indirect.gather [hbm4b:s3+s20], $0x80, s31, s20, $0xb8;
	[tilespmem:$0x18400] =	vst v63  }
0x14b: {  	_ = 	snop  }
0x14c: {  	[tilespmem:s19], [sflag:$0x9] =	stream.indirect.gather [hbm4b:s4+s20], $0x80, s31, s20, $0xb8;
	[tilespmem:$0x18400] =	vst v63  }
0x14d: {  	_ =	swait.ge [sflag:s18], $0x4000  }
0x14e: {  	[sflag:s18] =	ssyncset.done $0x0  }
0x14f: {  	s31 =	rddreg [dreg:$0x7];
	[sflag:s18] =	ssyncadd.s32 $0xFFFFC000  }
0x150: {  	[hbm4b:s31+s2] =	stream.linear.scatter [tilespmem:s13], [sflag:$0x4], $0x4000, $0x38;
	[tilespmem:$0x18400] =	vst v63  }
0x151: {  	_ =	swait.ge [sflag:s16], $0x4000  }
0x152: {  	[sflag:s16] =	ssyncset.done $0x0  }
0x153: {  	s1 =	rddreg [dreg:$0x8];
	[sflag:s16] =	ssyncadd.s32 $0xFFFFC000  }
0x154: {  	[hbm4b:s1+s2] =	stream.linear.scatter [tilespmem:s11], [sflag:$0xA], $0x4000, $0x38;
	[tilespmem:$0x18400] =	vst v63  }
0x155: {  	_ =	swait.ge [sflag:s8], $0x4000  }
0x156: {  	[sflag:s8] =	ssyncset.done $0x0  }
0x157: {  	[sflag:s8] =	ssyncadd.s32 $0xFFFFC000  }
0x158: {  	_ =	swait.ge [sflag:s6], $0x4000  }
0x159: {  	[sflag:s6] =	ssyncset.done $0x0  }
0x15a: {  	[sflag:s6] =	ssyncadd.s32 $0xFFFFC000  }
0x15b: {  	[tilespmem:s13], [sflag:$0x1] =	stream.indirect.gather [hbm4b:s3+s20], $0x80, s29, s20, $0xb8;
	[tilespmem:$0x18400] =	vst v63  }
0x15c: {  	_ = 	snop  }
0x15d: {  	[tilespmem:s11], [sflag:$0x7] =	stream.indirect.gather [hbm4b:s4+s20], $0x80, s29, s20, $0xb8;
	[tilespmem:$0x18400] =	vst v63  }
0x15e: {  	_ =	swait.ge [sflag:s15], $0x4000  }
0x15f: {  	[sflag:s15] =	ssyncset.done $0x0  }
0x160: {  	s30 =	rddreg [dreg:$0x9];
	[sflag:s15] =	ssyncadd.s32 $0xFFFFC000  }
0x161: {  	[hbm4b:s30+s2] =	stream.linear.scatter [tilespmem:s10], [sflag:$0x5], $0x4000, $0x38;
	[tilespmem:$0x18400] =	vst v63  }
0x162: {  	_ =	swait.ge [sflag:s12], $0x4000  }
0x163: {  	[sflag:s12] =	ssyncset.done $0x0  }
0x164: {  	s31 =	rddreg [dreg:$0xa];
	[sflag:s12] =	ssyncadd.s32 $0xFFFFC000  }
0x165: {  	[hbm4b:s31+s2] =	stream.linear.scatter [tilespmem:s9], [sflag:$0xB], $0x4000, $0x38;
	[tilespmem:$0x18400] =	vst v63  }
0x166: {  	_ =	swait.ge [sflag:s7], $0x4000  }
0x167: {  	[sflag:s7] =	ssyncset.done $0x0  }
0x168: {  	[sflag:s7] =	ssyncadd.s32 $0xFFFFC000  }
0x169: {  	_ =	swait.ge [sflag:s5], $0x4000  }
0x16a: {  	[sflag:s5] =	ssyncset.done $0x0  }
0x16b: {  	[sflag:s5] =	ssyncadd.s32 $0xFFFFC000  }
0x16c: {  	[tilespmem:s10], [sflag:$0x2] =	stream.indirect.gather [hbm4b:s3+s20], $0x80, s28, s20, $0xb8;
	[tilespmem:$0x18400] =	vst v63  }
0x16d: {  	_ = 	snop  }
0x16e: {  	[tilespmem:s9], [sflag:$0x8] =	stream.indirect.gather [hbm4b:s4+s20], $0x80, s28, s20, $0xb8;
	[tilespmem:$0x18400] =	vst v63  }
0x16f: {  	_ =	swait.ge [sflag:s23], $0x4000  }
0x170: {  	[sflag:s23] =	ssyncset.done $0x0  }
0x171: {  	s1 =	rddreg [dreg:$0xb];
	[sflag:s23] =	ssyncadd.s32 $0xFFFFC000  }
0x172: {  	[hbm4b:s1+s2] =	stream.linear.scatter [tilespmem:s21], [sflag:$0x6], $0x4000, $0x38;
	[tilespmem:$0x18400] =	vst v63  }
0x173: {  	_ =	swait.ge [sflag:s22], $0x4000  }
0x174: {  	[sflag:s22] =	ssyncset.done $0x0  }
0x175: {  	s28 =	rddreg [dreg:$0xc];
	[sflag:s22] =	ssyncadd.s32 $0xFFFFC000  }
0x176: {  	[hbm4b:s28+s2] =	stream.linear.scatter [tilespmem:s19], [sflag:$0xC], $0x4000, $0x38;
	[tilespmem:$0x18400] =	vst v63  }
0x177: {  	_ =	swait.ge [sflag:s17], $0x4000  }
0x178: {  	[sflag:s17] =	ssyncset.done $0x0  }
0x179: {  	[sflag:s17] =	ssyncadd.s32 $0xFFFFC000  }
0x17a: {  	_ =	swait.ge [sflag:s14], $0x4000  }
0x17b: {  	[sflag:s14] =	ssyncset.done $0x0  }
0x17c: {  	[sflag:s14] =	ssyncadd.s32 $0xFFFFC000  }
0x17d: {  	[tilespmem:s21], [sflag:$0x3] =	stream.indirect.gather [hbm4b:s3+s20], $0x80, s26, s20, $0xb8;
	[tilespmem:$0x18400] =	vst v63  }
0x17e: {  	_ = 	snop  }
0x17f: {  	[tilespmem:s19], [sflag:$0x9] =	stream.indirect.gather [hbm4b:s4+s20], $0x80, s26, s20, $0xb8;
	[tilespmem:$0x18400] =	vst v63  }
0x180: {  	_ =	swait.ge [sflag:s18], $0x4000  }
0x181: {  	[sflag:s18] =	ssyncset.done $0x0  }
0x182: {  	s29 =	rddreg [dreg:$0xd];
	[sflag:s18] =	ssyncadd.s32 $0xFFFFC000  }
0x183: {  	[hbm4b:s29+s2] =	stream.linear.scatter [tilespmem:s13], [sflag:$0x4], $0x4000, $0x38;
	[tilespmem:$0x18400] =	vst v63  }
0x184: {  	_ =	swait.ge [sflag:s16], $0x4000  }
0x185: {  	[sflag:s16] =	ssyncset.done $0x0  }
0x186: {  	s30 =	rddreg [dreg:$0xe];
	[sflag:s16] =	ssyncadd.s32 $0xFFFFC000  }
0x187: {  	[hbm4b:s30+s2] =	stream.linear.scatter [tilespmem:s11], [sflag:$0xA], $0x4000, $0x38;
	[tilespmem:$0x18400] =	vst v63  }
0x188: {  	_ =	swait.ge [sflag:s8], $0x4000  }
0x189: {  	[sflag:s8] =	ssyncset.done $0x0  }
0x18a: {  	[sflag:s8] =	ssyncadd.s32 $0xFFFFC000  }
0x18b: {  	_ =	swait.ge [sflag:s6], $0x4000  }
0x18c: {  	[sflag:s6] =	ssyncset.done $0x0  }
0x18d: {  	[sflag:s6] =	ssyncadd.s32 $0xFFFFC000  }
0x18e: {  	[tilespmem:s13], [sflag:$0x1] =	stream.indirect.gather [hbm4b:s3+s20], $0x80, s25, s20, $0xb8;
	[tilespmem:$0x18400] =	vst v63  }
0x18f: {  	_ = 	snop  }
0x190: {  	[tilespmem:s11], [sflag:$0x7] =	stream.indirect.gather [hbm4b:s4+s20], $0x80, s25, s20, $0xb8;
	[tilespmem:$0x18400] =	vst v63  }
0x191: {  	_ =	swait.ge [sflag:s15], $0x4000  }
0x192: {  	[sflag:s15] =	ssyncset.done $0x0  }
0x193: {  	s31 =	rddreg [dreg:$0xf];
	[sflag:s15] =	ssyncadd.s32 $0xFFFFC000  }
0x194: {  	[hbm4b:s31+s2] =	stream.linear.scatter [tilespmem:s10], [sflag:$0x5], $0x4000, $0x38;
	[tilespmem:$0x18400] =	vst v63  }
0x195: {  	_ =	swait.ge [sflag:s12], $0x4000  }
0x196: {  	[sflag:s12] =	ssyncset.done $0x0  }
0x197: {  	s1 =	rddreg [dreg:$0x10];
	[sflag:s12] =	ssyncadd.s32 $0xFFFFC000  }
0x198: {  	[hbm4b:s1+s2] =	stream.linear.scatter [tilespmem:s9], [sflag:$0xB], $0x4000, $0x38;
	[tilespmem:$0x18400] =	vst v63  }
0x199: {  	_ =	swait.ge [sflag:s7], $0x4000  }
0x19a: {  	[sflag:s7] =	ssyncset.done $0x0  }
0x19b: {  	[sflag:s7] =	ssyncadd.s32 $0xFFFFC000  }
0x19c: {  	_ =	swait.ge [sflag:s5], $0x4000  }
0x19d: {  	[sflag:s5] =	ssyncset.done $0x0  }
0x19e: {  	[sflag:s5] =	ssyncadd.s32 $0xFFFFC000  }
0x19f: {  	[tilespmem:s10], [sflag:$0x2] =	stream.indirect.gather [hbm4b:s3+s20], $0x80, s24, s20, $0xb8;
	[tilespmem:$0x18400] =	vst v63  }
0x1a0: {  	_ = 	snop  }
0x1a1: {  	[tilespmem:s9], [sflag:$0x8] =	stream.indirect.gather [hbm4b:s4+s20], $0x80, s24, s20, $0xb8;
	[tilespmem:$0x18400] =	vst v63  }
0x1a2: {  	_ =	swait.ge [sflag:s23], $0x4000  }
0x1a3: {  	[sflag:s23] =	ssyncset.done $0x0  }
0x1a4: {  	s24 =	rddreg [dreg:$0x11];
	[sflag:s23] =	ssyncadd.s32 $0xFFFFC000  }
0x1a5: {  	[hbm4b:s24+s2] =	stream.linear.scatter [tilespmem:s21], [sflag:$0x6], $0x4000, $0x38;
	[tilespmem:$0x18400] =	vst v63  }
0x1a6: {  	_ =	swait.ge [sflag:s22], $0x4000  }
0x1a7: {  	[sflag:s22] =	ssyncset.done $0x0  }
0x1a8: {  	s25 =	rddreg [dreg:$0x12];
	[sflag:s22] =	ssyncadd.s32 $0xFFFFC000  }
0x1a9: {  	[hbm4b:s25+s2] =	stream.linear.scatter [tilespmem:s19], [sflag:$0xC], $0x4000, $0x38;
	[tilespmem:$0x18400] =	vst v63  }
0x1aa: {  	_ =	swait.ge [sflag:s18], $0x4000  }
0x1ab: {  	[sflag:s18] =	ssyncset.done $0x0  }
0x1ac: {  	s26 =	rddreg [dreg:$0x13];
	[sflag:s18] =	ssyncadd.s32 $0xFFFFC000  }
0x1ad: {  	[hbm4b:s26+s2] =	stream.linear.scatter [tilespmem:s13], [sflag:$0x4], $0x4000, $0x38;
	[tilespmem:$0x18400] =	vst v63  }
0x1ae: {  	_ =	swait.ge [sflag:s16], $0x4000  }
0x1af: {  	[sflag:s16] =	ssyncset.done $0x0  }
0x1b0: {  	s28 =	rddreg [dreg:$0x14];
	[sflag:s16] =	ssyncadd.s32 $0xFFFFC000  }
0x1b1: {  	[hbm4b:s28+s2] =	stream.linear.scatter [tilespmem:s11], [sflag:$0xA], $0x4000, $0x38;
	[tilespmem:$0x18400] =	vst v63  }
0x1b2: {  	_ =	swait.ge [sflag:s15], $0x4000  }
0x1b3: {  	[sflag:s15] =	ssyncset.done $0x0  }
0x1b4: {  	s29 =	rddreg [dreg:$0x15];
	[sflag:s15] =	ssyncadd.s32 $0xFFFFC000  }
0x1b5: {  	[hbm4b:s29+s2] =	stream.linear.scatter [tilespmem:s10], [sflag:$0x5], $0x4000, $0x38;
	[tilespmem:$0x18400] =	vst v63  }
0x1b6: {  	_ =	swait.ge [sflag:s12], $0x4000  }
0x1b7: {  	[sflag:s12] =	ssyncset.done $0x0  }
0x1b8: {  	s30 =	rddreg [dreg:$0x16];
	[sflag:s12] =	ssyncadd.s32 $0xFFFFC000  }
0x1b9: {  	[hbm4b:s30+s2] =	stream.linear.scatter [tilespmem:s9], [sflag:$0xB], $0x4000, $0x38;
	[tilespmem:$0x18400] =	vst v63  }
0x1ba: {  	_ =	swait.ge [sflag:s17], $0x4000  }
0x1bb: {  	[sflag:s17] =	ssyncset.done $0x0  }
0x1bc: {  	[sflag:s17] =	ssyncadd.s32 $0xFFFFC000  }
0x1bd: {  	_ =	swait.ge [sflag:s14], $0x4000  }
0x1be: {  	[sflag:s14] =	ssyncset.done $0x0  }
0x1bf: {  	[sflag:s14] =	ssyncadd.s32 $0xFFFFC000  }
0x1c0: {  	_ =	swait.ge [sflag:s8], $0x4000  }
0x1c1: {  	[sflag:s8] =	ssyncset.done $0x0  }
0x1c2: {  	[sflag:s8] =	ssyncadd.s32 $0xFFFFC000  }
0x1c3: {  	_ =	swait.ge [sflag:s6], $0x4000  }
0x1c4: {  	[sflag:s6] =	ssyncset.done $0x0  }
0x1c5: {  	[sflag:s6] =	ssyncadd.s32 $0xFFFFC000  }
0x1c6: {  	_ =	swait.ge [sflag:s7], $0x4000  }
0x1c7: {  	[sflag:s7] =	ssyncset.done $0x0  }
0x1c8: {  	[sflag:s7] =	ssyncadd.s32 $0xFFFFC000  }
0x1c9: {  	_ =	swait.ge [sflag:s5], $0x4000  }
0x1ca: {  	[sflag:s5] =	ssyncset.done $0x0  }
0x1cb: {  	[sflag:s5] =	ssyncadd.s32 $0xFFFFC000  }
0x1cc: {  	_ =	sfence.sel $0x180000  }
0x1cd: {  	[bflag:$0x0] =	sbarrier.arrive $0xFFFF  }
0x1ce: {  	_ =	strace $0x90000047  }
0x1cf: {  	s31 =	stileid.u32;
	[bflag:$0x2] =	sbarrier.arrive $0xFFFF  }
0x1d0: {  	p0 =	sne.s32 s31, $0x0;
	s0 =	rddreg [dreg:$0x5]  }
0x1d1: {  	s0 =	sadd.s32 @!p0 $0x100000, s0  }
0x1d2: {  	[sflag:s0] =	ssyncadd.tile.s32 @!p0 $0x1;
	_ =	shalt  }
.Lfunc_end2:
_tile_overlayer_lowered:
.L_overlay_start_2:
0x1d3: {  	(tag) =	ssettag $0x2  }
0x1d4: {  	s0 =	rddreg [dreg:$0x0];
	s2 =	stileid.u32  }
0x1d5: {  	s1 =	rddreg [dreg:$0x1];
	p0 =	sne.s32 s2, $0x0  }
0x1d6: {  	s3 =	rddreg [dreg:$0x2];
	[bflag:$0x3] =	sbarrier.arrive $0xFFFF;
	s2 =	simm.s32 @!p0 $0x1C0D  }
0x1d7: {  	[timem:s3], [sflag:s2] =	dma.local @!p0 [hbm:s0], s1  }
0x1d8: {  	s0 =	simm.s32 @!p0 $0xD  }
0x1d9: {  	_ =	swait.ge @!p0 [sflag:s0], s1  }
0x1da: {  	s1 =	ssub.s32 @!p0 $0x0, s1;
	[sflag:s0] =	ssyncset.done @!p0 $0x0  }
0x1db: {  	[sflag:s0] =	ssyncadd.s32 @!p0 s1  }
0x1dc: {  	[bflag:$0x3] =	sbarrier.arrive $0xFFFF  }
0x1dd: {  	_ =	shalt  }

</sc_bundles>
